<compile_context>
chip_gen: v7x
topology: tpu7x:2x2x1
jax: 0.10.2.dev20260603
libtpu: 0.0.44.dev20260713+nightly
codegen_flags: <defaults>
</compile_context>

<pallas_src>
import functools

import jax
import jax.numpy as jnp
from jax import lax
from jax.experimental import pallas as pl
from jax.experimental.pallas import tpu as pltpu
from jax.experimental.pallas import tpu_sc as plsc

_NC = 2
_NS = 16
_NW = _NC * _NS
_BLK = 512


def _sc_gather_rows(x, idx):
    d = x.shape[1]
    per = idx.shape[0] // _NW
    idx2 = idx.reshape(_NW, per)
    mesh = plsc.VectorSubcoreMesh(core_axis_name="c", subcore_axis_name="s")

    @functools.partial(
        pl.kernel,
        mesh=mesh,
        out_type=jax.ShapeDtypeStruct((_NW, per, d), jnp.float32),
        scratch_types=[
            pltpu.VMEM((per,), jnp.int32),
            pltpu.VMEM((per // 2, d), jnp.float32),
            pltpu.SemaphoreType.DMA,
        ],
    )
    def gather_kernel(x_hbm, idx_hbm, out_hbm, idx_v, rows_v, sem):
        wid = lax.axis_index("s") * _NC + lax.axis_index("c")
        pltpu.sync_copy(idx_hbm.at[wid], idx_v)
        half = per // 2

        for rnd in range(2):
            def start(gg, carry):
                vec = idx_v[pl.ds(rnd * half + gg * 16, 16)]
                for j in range(16):
                    pltpu.make_async_copy(
                        x_hbm.at[pl.ds(vec[j], 1)],
                        rows_v.at[pl.ds(gg * 16 + j, 1)],
                        sem).start()
                return carry

            lax.fori_loop(0, half // 16, start, 0)

            def drain(i, carry):
                pltpu.make_async_copy(
                    x_hbm.at[pl.ds(0, 1)], rows_v.at[pl.ds(0, 1)],
                    sem).wait()
                return carry

            lax.fori_loop(0, half, drain, 0)
            pltpu.sync_copy(rows_v, out_hbm.at[wid, pl.ds(rnd * half, half)])

    return gather_kernel(x, idx2).reshape(_NW * per, d)


def _mlp_body(pl_ref, gc_ref, gd_ref, e_ref, tp_ref, w1c_ref, w1d_ref,
              b1_ref, w2_ref, b2_ref, w3_ref, b3_ref, w4_ref, b4_ref,
              out_ref):
    pf = pl_ref[...].astype(jnp.bfloat16)
    rep = jnp.dot(pf, e_ref[...], preferred_element_type=jnp.float32)
    band = (lax.broadcasted_iota(jnp.int32, rep.shape, 1) & 31)
    oh = jnp.where(rep == band.astype(jnp.float32),
                   jnp.float32(1.0), jnp.float32(0.0))
    h = jnp.dot(oh, tp_ref[...], preferred_element_type=jnp.float32)
    h = h + jnp.dot(gc_ref[...], w1c_ref[...],
                    preferred_element_type=jnp.float32)
    h = h + jnp.dot(gd_ref[...], w1d_ref[...],
                    preferred_element_type=jnp.float32)
    h = jnp.maximum(h + b1_ref[...], 0.0)
    h = jnp.maximum(
        jnp.dot(h, w2_ref[...], preferred_element_type=jnp.float32)
        + b2_ref[...], 0.0)
    h = jnp.maximum(
        jnp.dot(h, w3_ref[...], preferred_element_type=jnp.float32)
        + b3_ref[...], 0.0)
    z = (jnp.dot(h, w4_ref[...], preferred_element_type=jnp.float32)
         + b4_ref[...])
    out_ref[...] = jax.nn.sigmoid(z)


def kernel(edge_data, pred_leaf, X, leaf_emb, W1, b1, W2, b2, W3, b3, W4, b4):
    B, T = pred_leaf.shape
    L = leaf_emb.shape[1]
    Lp = 32
    D = leaf_emb.shape[2]
    F = X.shape[1]

    chan = edge_data[:, 0]
    dev = edge_data[:, 1]
    labels = edge_data[:, 2]

    idx = jnp.concatenate([chan, dev], axis=0)
    rows = _sc_gather_rows(X, idx)

    table = jnp.pad(leaf_emb, ((0, 0), (0, Lp - L), (0, 0))).reshape(T * Lp, D)
    tp = (table / T) @ W1[42:]
    w1c = jnp.pad(W1[:20], ((0, F - 20), (0, 0)))
    w1d = W1[20:42]
    e = (lax.broadcasted_iota(jnp.int32, (T, T * Lp), 1) // Lp
         == lax.broadcasted_iota(jnp.int32, (T, T * Lp), 0)
         ).astype(jnp.bfloat16)

    nblk = B // _BLK
    full = lambda i: (0, 0)
    blk = lambda i: (i, 0)
    blk2 = lambda i: (i + nblk, 0)
    h = pl.pallas_call(
        _mlp_body,
        grid=(nblk,),
        in_specs=[
            pl.BlockSpec((_BLK, T), blk),
            pl.BlockSpec((_BLK, F), blk),
            pl.BlockSpec((_BLK, F), blk2),
            pl.BlockSpec((T, T * Lp), full),
            pl.BlockSpec((T * Lp, 36), full),
            pl.BlockSpec((F, 36), full),
            pl.BlockSpec((F, 36), full),
            pl.BlockSpec((1, 36), full),
            pl.BlockSpec((36, 20), full),
            pl.BlockSpec((1, 20), full),
            pl.BlockSpec((20, 12), full),
            pl.BlockSpec((1, 12), full),
            pl.BlockSpec((12, 1), full),
            pl.BlockSpec((1, 1), full),
        ],
        out_specs=pl.BlockSpec((_BLK, 1), blk),
        out_shape=jax.ShapeDtypeStruct((B, 1), jnp.float32),
        compiler_params=pltpu.CompilerParams(
            dimension_semantics=("arbitrary",)),
    )(pred_leaf, rows, rows, e, tp, w1c, w1d, b1.reshape(1, 36),
      W2, b2.reshape(1, 20), W3, b3.reshape(1, 12), W4, b4.reshape(1, 1))
    return (h, labels)

# --- scband reference (transcript-rebuilt; emitter-appended) ---
"""Pipeline reference for scband-nn-with-leaf-emb-80513456931490 (READ-ONLY COPY).

The authoritative reference and input builder live on the scoring server;
editing this copy changes nothing except your own understanding.
"""

import jax, jax.numpy as jnp
import numpy as np


def setup_inputs(seed: int = 0) -> dict:
    key = jax.random.key(seed)
    ks = jax.random.split(key, 12)
    B = 16384
    N = 1000000   # n_nodes (node-feature table rows)
    T = 64        # n_estimators (number of leaf embedding tables)
    L = 31        # leaves per tree
    D = 64        # leaf_dim
    edge_data = jax.random.randint(ks[0], (B, 3), 0, N, dtype=jnp.int32)
    pred_leaf = jax.random.randint(ks[1], (B, T), 0, L, dtype=jnp.int32)
    X = jax.random.normal(ks[2], (N, 22), dtype=jnp.float32)
    leaf_emb = jax.random.normal(ks[3], (T, L, D), dtype=jnp.float32)
    W1 = jax.random.normal(ks[4], (106, 36), dtype=jnp.float32) * 0.1
    b1 = jax.random.normal(ks[5], (36,), dtype=jnp.float32) * 0.1
    W2 = jax.random.normal(ks[6], (36, 20), dtype=jnp.float32) * 0.1
    b2 = jax.random.normal(ks[7], (20,), dtype=jnp.float32) * 0.1
    W3 = jax.random.normal(ks[8], (20, 12), dtype=jnp.float32) * 0.1
    b3 = jax.random.normal(ks[9], (12,), dtype=jnp.float32) * 0.1
    W4 = jax.random.normal(ks[10], (12, 1), dtype=jnp.float32) * 0.1
    b4 = jax.random.normal(ks[11], (1,), dtype=jnp.float32) * 0.1
    return {"edge_data": edge_data, "pred_leaf": pred_leaf, "X": X,
            "leaf_emb": leaf_emb, "W1": W1, "b1": b1, "W2": W2, "b2": b2,
            "W3": W3, "b3": b3, "W4": W4, "b4": b4}


def reference(edge_data, pred_leaf, X, leaf_emb, W1, b1, W2, b2, W3, b3, W4, b4):
    chan = edge_data[:, 0]
    dev = edge_data[:, 1]
    labels = edge_data[:, 2]
    # gather node features (embedding_lookup on the big table)
    chan_data = jnp.take(X, chan, axis=0)[:, :20]   # [B, 20]
    dev_data = jnp.take(X, dev, axis=0)             # [B, 22]
    # get_leaf_from_light_gbm: per-tree leaf embedding lookup, then mean over trees
    T = pred_leaf.shape[1]
    tree_ids = jnp.arange(T, dtype=pred_leaf.dtype)[None, :]   # [1, T]
    leaf_vecs = leaf_emb[tree_ids, pred_leaf]                   # [B, T, 64]
    leaf_feats = jnp.mean(leaf_vecs, axis=1)                    # [B, 64]
    final_feats = jnp.concatenate((chan_data, dev_data), axis=1)
    final_feats = jnp.concatenate((final_feats, leaf_feats), axis=1)  # [B, 106]
    h = jax.nn.relu(final_feats @ W1 + b1)
    h = jax.nn.relu(h @ W2 + b2)
    h = jax.nn.relu(h @ W3 + b3)
    h = jax.nn.sigmoid(h @ W4 + b4)                             # [B, 1]
    return (h, labels)

if __name__ == "__main__":
    import jax
    _d = setup_inputs()
    print(jax.jit(kernel)(*tuple(_d.values())))

</pallas_src>

<mosaic_0001>
#map = affine_map<(d0, d1) -> (0, 0)>
#map1 = affine_map<(d0, d1) -> (0, 0, 0)>
module attributes {stable_mosaic.version = 14 : i64} {
  func.func @gather_kernel(%arg0: i32, %arg1: i32, %arg2: memref<1000000x22xf32, #tpu.memory_space<hbm>>, %arg3: memref<32x1024xi32, #tpu.memory_space<hbm>>, %arg4: memref<32x1024x22xf32, #tpu.memory_space<hbm>>, %arg5: memref<1024xi32, #tpu.memory_space<vmem>>, %arg6: memref<512x22xf32, #tpu.memory_space<vmem>>, %arg7: memref<!tpu.dma_semaphore, #tpu.memory_space<semaphore_mem>>) attributes {dimension_semantics = [#tpu.dimension_semantics<core_parallel>, #tpu.dimension_semantics<subcore_parallel>], iteration_bounds = array<i64: 2, 16>, scalar_prefetch = 0 : i64, scratch_operands = 3 : i64, tpu.core_type = #tpu.core_type<sc_vector_subcore>, window_params = [{transform_indices = #map}, {transform_indices = #map}, {transform_indices = #map1}]} {
    %mul3A = arith.constant 2 : i32
    %mul3A_0 = arith.muli %arg1, %mul3A : i32
    %add3A = arith.addi %mul3A_0, %arg0 : i32
    "tpu.region"() ({
      %run_scoped3A = tpu.sem_alloc : memref<!tpu.dma_semaphore, #tpu.memory_space<semaphore_mem>>
      %dma_start3A = arith.constant 0 : i32
      %dma_start3A_24 = tpu.memref_slice %arg3[%add3A, %dma_start3A] : memref<32x1024xi32, #tpu.memory_space<hbm>> -> memref<1x1024xi32, #tpu.memory_space<hbm>>
      %dma_start3A_25 = tpu.memref_squeeze %dma_start3A_24 : memref<1x1024xi32, #tpu.memory_space<hbm>> -> memref<1024xi32, #tpu.memory_space<hbm>>
      %dma_start3A_26 = arith.constant 0 : i32
      %dma_start3A_27 = tpu.memref_slice %arg3[%add3A, %dma_start3A_26] : memref<32x1024xi32, #tpu.memory_space<hbm>> -> memref<1x1024xi32, #tpu.memory_space<hbm>>
      %dma_start3A_28 = tpu.memref_squeeze %dma_start3A_27 : memref<1x1024xi32, #tpu.memory_space<hbm>> -> memref<1024xi32, #tpu.memory_space<hbm>>
      tpu.enqueue_dma source(%dma_start3A_28 : memref<1024xi32, #tpu.memory_space<hbm>>) target(%arg5 : memref<1024xi32, #tpu.memory_space<vmem>>) target_semaphore(%run_scoped3A : memref<!tpu.dma_semaphore, #tpu.memory_space<semaphore_mem>>)
      %dma_wait3A = arith.constant 0 : i32
      %dma_wait3A_29 = tpu.memref_slice %arg3[%add3A, %dma_wait3A] : memref<32x1024xi32, #tpu.memory_space<hbm>> -> memref<1x1024xi32, #tpu.memory_space<hbm>>
      %dma_wait3A_30 = tpu.memref_squeeze %dma_wait3A_29 : memref<1x1024xi32, #tpu.memory_space<hbm>> -> memref<1024xi32, #tpu.memory_space<hbm>>
      %dma_wait3A_31 = arith.constant 0 : i32
      %dma_wait3A_32 = tpu.memref_slice %arg3[%add3A, %dma_wait3A_31] : memref<32x1024xi32, #tpu.memory_space<hbm>> -> memref<1x1024xi32, #tpu.memory_space<hbm>>
      %dma_wait3A_33 = tpu.memref_squeeze %dma_wait3A_32 : memref<1x1024xi32, #tpu.memory_space<hbm>> -> memref<1024xi32, #tpu.memory_space<hbm>>
      tpu.wait_dma2 semaphore(%run_scoped3A : memref<!tpu.dma_semaphore, #tpu.memory_space<semaphore_mem>>) src(%dma_wait3A_33 : memref<1024xi32, #tpu.memory_space<hbm>>) dst(%arg5 : memref<1024xi32, #tpu.memory_space<vmem>>)
      tpu.yield
    }) : () -> ()
    %scan3A = arith.constant 0 : i32
    %scan3A_1 = arith.constant 0 : i32
    %scan3A_2 = arith.constant 32 : i32
    %scan3A_3 = arith.addi %scan3A_1, %scan3A_2 : i32
    %scan3A_4 = arith.constant 1 : i32
    scf.for %scan3A_24 = %scan3A_1 to %scan3A_3 step %scan3A_4  : i32 {
      %mul3A_25 = arith.constant 16 : i32
      %mul3A_26 = arith.muli %scan3A_24, %mul3A_25 : i32
      %add3A_27 = arith.constant 0 : i32
      %add3A_28 = arith.addi %add3A_27, %mul3A_26 : i32
      %get3A = arith.index_cast %add3A_28 : i32 to index
      %get3A_29 = tpu.vector_load %arg5[%get3A] {strides = array<i32>} : memref<1024xi32, #tpu.memory_space<vmem>>, vector<16xi32>,
      %get3A_30 = vector.shape_cast %get3A_29 : vector<16xi32> to vector<16xi32>
      %slice3A = vector.extract_strided_slice %get3A_30 {offsets = [0], sizes = [1], strides = [1]} : vector<16xi32> to vector<1xi32>
      %squeeze3A = vector.extract %slice3A[0] : i32 from vector<1xi32>
      %mul3A_31 = arith.constant 16 : i32
      %mul3A_32 = arith.muli %scan3A_24, %mul3A_31 : i32
      %add3A_33 = arith.constant 0 : i32
      %add3A_34 = arith.addi %mul3A_32, %add3A_33 : i32
      %dma_start3A = arith.constant 0 : i32
      %dma_start3A_35 = tpu.memref_slice %arg6[%add3A_34, %dma_start3A] : memref<512x22xf32, #tpu.memory_space<vmem>> -> memref<1x22xf32, #tpu.memory_space<vmem>>
      %dma_start3A_36 = arith.constant 0 : i32
      %dma_start3A_37 = tpu.memref_slice %arg2[%squeeze3A, %dma_start3A_36] : memref<1000000x22xf32, #tpu.memory_space<hbm>> -> memref<1x22xf32, #tpu.memory_space<hbm>>
      %dma_start3A_38 = arith.constant 0 : i32
      %dma_start3A_39 = tpu.memref_slice %arg6[%add3A_34, %dma_start3A_38] : memref<512x22xf32, #tpu.memory_space<vmem>> -> memref<1x22xf32, #tpu.memory_space<vmem>>
      %dma_start3A_40 = arith.constant 0 : i32
      %dma_start3A_41 = tpu.memref_slice %arg2[%squeeze3A, %dma_start3A_40] : memref<1000000x22xf32, #tpu.memory_space<hbm>> -> memref<1x22xf32, #tpu.memory_space<hbm>>
      tpu.enqueue_dma source(%dma_start3A_41 : memref<1x22xf32, #tpu.memory_space<hbm>>) target(%dma_start3A_39 : memref<1x22xf32, #tpu.memory_space<vmem>>) target_semaphore(%arg7 : memref<!tpu.dma_semaphore, #tpu.memory_space<semaphore_mem>>)
      %slice3A_42 = vector.extract_strided_slice %get3A_30 {offsets = [1], sizes = [1], strides = [1]} : vector<16xi32> to vector<1xi32>
      %squeeze3A_43 = vector.extract %slice3A_42[0] : i32 from vector<1xi32>
      %mul3A_44 = arith.constant 16 : i32
      %mul3A_45 = arith.muli %scan3A_24, %mul3A_44 : i32
      %add3A_46 = arith.constant 1 : i32
      %add3A_47 = arith.addi %mul3A_45, %add3A_46 : i32
      %dma_start3A_48 = arith.constant 0 : i32
      %dma_start3A_49 = tpu.memref_slice %arg6[%add3A_47, %dma_start3A_48] : memref<512x22xf32, #tpu.memory_space<vmem>> -> memref<1x22xf32, #tpu.memory_space<vmem>>
      %dma_start3A_50 = arith.constant 0 : i32
      %dma_start3A_51 = tpu.memref_slice %arg2[%squeeze3A_43, %dma_start3A_50] : memref<1000000x22xf32, #tpu.memory_space<hbm>> -> memref<1x22xf32, #tpu.memory_space<hbm>>
      %dma_start3A_52 = arith.constant 0 : i32
      %dma_start3A_53 = tpu.memref_slice %arg6[%add3A_47, %dma_start3A_52] : memref<512x22xf32, #tpu.memory_space<vmem>> -> memref<1x22xf32, #tpu.memory_space<vmem>>
      %dma_start3A_54 = arith.constant 0 : i32
      %dma_start3A_55 = tpu.memref_slice %arg2[%squeeze3A_43, %dma_start3A_54] : memref<1000000x22xf32, #tpu.memory_space<hbm>> -> memref<1x22xf32, #tpu.memory_space<hbm>>
      tpu.enqueue_dma source(%dma_start3A_55 : memref<1x22xf32, #tpu.memory_space<hbm>>) target(%dma_start3A_53 : memref<1x22xf32, #tpu.memory_space<vmem>>) target_semaphore(%arg7 : memref<!tpu.dma_semaphore, #tpu.memory_space<semaphore_mem>>)
      %slice3A_56 = vector.extract_strided_slice %get3A_30 {offsets = [2], sizes = [1], strides = [1]} : vector<16xi32> to vector<1xi32>
      %squeeze3A_57 = vector.extract %slice3A_56[0] : i32 from vector<1xi32>
      %mul3A_58 = arith.constant 16 : i32
      %mul3A_59 = arith.muli %scan3A_24, %mul3A_58 : i32
      %add3A_60 = arith.constant 2 : i32
      %add3A_61 = arith.addi %mul3A_59, %add3A_60 : i32
      %dma_start3A_62 = arith.constant 0 : i32
      %dma_start3A_63 = tpu.memref_slice %arg6[%add3A_61, %dma_start3A_62] : memref<512x22xf32, #tpu.memory_space<vmem>> -> memref<1x22xf32, #tpu.memory_space<vmem>>
      %dma_start3A_64 = arith.constant 0 : i32
      %dma_start3A_65 = tpu.memref_slice %arg2[%squeeze3A_57, %dma_start3A_64] : memref<1000000x22xf32, #tpu.memory_space<hbm>> -> memref<1x22xf32, #tpu.memory_space<hbm>>
      %dma_start3A_66 = arith.constant 0 : i32
      %dma_start3A_67 = tpu.memref_slice %arg6[%add3A_61, %dma_start3A_66] : memref<512x22xf32, #tpu.memory_space<vmem>> -> memref<1x22xf32, #tpu.memory_space<vmem>>
      %dma_start3A_68 = arith.constant 0 : i32
      %dma_start3A_69 = tpu.memref_slice %arg2[%squeeze3A_57, %dma_start3A_68] : memref<1000000x22xf32, #tpu.memory_space<hbm>> -> memref<1x22xf32, #tpu.memory_space<hbm>>
      tpu.enqueue_dma source(%dma_start3A_69 : memref<1x22xf32, #tpu.memory_space<hbm>>) target(%dma_start3A_67 : memref<1x22xf32, #tpu.memory_space<vmem>>) target_semaphore(%arg7 : memref<!tpu.dma_semaphore, #tpu.memory_space<semaphore_mem>>)
      %slice3A_70 = vector.extract_strided_slice %get3A_30 {offsets = [3], sizes = [1], strides = [1]} : vector<16xi32> to vector<1xi32>
      %squeeze3A_71 = vector.extract %slice3A_70[0] : i32 from vector<1xi32>
      %mul3A_72 = arith.constant 16 : i32
      %mul3A_73 = arith.muli %scan3A_24, %mul3A_72 : i32
      %add3A_74 = arith.constant 3 : i32
      %add3A_75 = arith.addi %mul3A_73, %add3A_74 : i32
      %dma_start3A_76 = arith.constant 0 : i32
      %dma_start3A_77 = tpu.memref_slice %arg6[%add3A_75, %dma_start3A_76] : memref<512x22xf32, #tpu.memory_space<vmem>> -> memref<1x22xf32, #tpu.memory_space<vmem>>
      %dma_start3A_78 = arith.constant 0 : i32
      %dma_start3A_79 = tpu.memref_slice %arg2[%squeeze3A_71, %dma_start3A_78] : memref<1000000x22xf32, #tpu.memory_space<hbm>> -> memref<1x22xf32, #tpu.memory_space<hbm>>
      %dma_start3A_80 = arith.constant 0 : i32
      %dma_start3A_81 = tpu.memref_slice %arg6[%add3A_75, %dma_start3A_80] : memref<512x22xf32, #tpu.memory_space<vmem>> -> memref<1x22xf32, #tpu.memory_space<vmem>>
      %dma_start3A_82 = arith.constant 0 : i32
      %dma_start3A_83 = tpu.memref_slice %arg2[%squeeze3A_71, %dma_start3A_82] : memref<1000000x22xf32, #tpu.memory_space<hbm>> -> memref<1x22xf32, #tpu.memory_space<hbm>>
      tpu.enqueue_dma source(%dma_start3A_83 : memref<1x22xf32, #tpu.memory_space<hbm>>) target(%dma_start3A_81 : memref<1x22xf32, #tpu.memory_space<vmem>>) target_semaphore(%arg7 : memref<!tpu.dma_semaphore, #tpu.memory_space<semaphore_mem>>)
      %slice3A_84 = vector.extract_strided_slice %get3A_30 {offsets = [4], sizes = [1], strides = [1]} : vector<16xi32> to vector<1xi32>
      %squeeze3A_85 = vector.extract %slice3A_84[0] : i32 from vector<1xi32>
      %mul3A_86 = arith.constant 16 : i32
      %mul3A_87 = arith.muli %scan3A_24, %mul3A_86 : i32
      %add3A_88 = arith.constant 4 : i32
      %add3A_89 = arith.addi %mul3A_87, %add3A_88 : i32
      %dma_start3A_90 = arith.constant 0 : i32
      %dma_start3A_91 = tpu.memref_slice %arg6[%add3A_89, %dma_start3A_90] : memref<512x22xf32, #tpu.memory_space<vmem>> -> memref<1x22xf32, #tpu.memory_space<vmem>>
      %dma_start3A_92 = arith.constant 0 : i32
      %dma_start3A_93 = tpu.memref_slice %arg2[%squeeze3A_85, %dma_start3A_92] : memref<1000000x22xf32, #tpu.memory_space<hbm>> -> memref<1x22xf32, #tpu.memory_space<hbm>>
      %dma_start3A_94 = arith.constant 0 : i32
      %dma_start3A_95 = tpu.memref_slice %arg6[%add3A_89, %dma_start3A_94] : memref<512x22xf32, #tpu.memory_space<vmem>> -> memref<1x22xf32, #tpu.memory_space<vmem>>
      %dma_start3A_96 = arith.constant 0 : i32
      %dma_start3A_97 = tpu.memref_slice %arg2[%squeeze3A_85, %dma_start3A_96] : memref<1000000x22xf32, #tpu.memory_space<hbm>> -> memref<1x22xf32, #tpu.memory_space<hbm>>
      tpu.enqueue_dma source(%dma_start3A_97 : memref<1x22xf32, #tpu.memory_space<hbm>>) target(%dma_start3A_95 : memref<1x22xf32, #tpu.memory_space<vmem>>) target_semaphore(%arg7 : memref<!tpu.dma_semaphore, #tpu.memory_space<semaphore_mem>>)
      %slice3A_98 = vector.extract_strided_slice %get3A_30 {offsets = [5], sizes = [1], strides = [1]} : vector<16xi32> to vector<1xi32>
      %squeeze3A_99 = vector.extract %slice3A_98[0] : i32 from vector<1xi32>
      %mul3A_100 = arith.constant 16 : i32
      %mul3A_101 = arith.muli %scan3A_24, %mul3A_100 : i32
      %add3A_102 = arith.constant 5 : i32
      %add3A_103 = arith.addi %mul3A_101, %add3A_102 : i32
      %dma_start3A_104 = arith.constant 0 : i32
      %dma_start3A_105 = tpu.memref_slice %arg6[%add3A_103, %dma_start3A_104] : memref<512x22xf32, #tpu.memory_space<vmem>> -> memref<1x22xf32, #tpu.memory_space<vmem>>
      %dma_start3A_106 = arith.constant 0 : i32
      %dma_start3A_107 = tpu.memref_slice %arg2[%squeeze3A_99, %dma_start3A_106] : memref<1000000x22xf32, #tpu.memory_space<hbm>> -> memref<1x22xf32, #tpu.memory_space<hbm>>
      %dma_start3A_108 = arith.constant 0 : i32
      %dma_start3A_109 = tpu.memref_slice %arg6[%add3A_103, %dma_start3A_108] : memref<512x22xf32, #tpu.memory_space<vmem>> -> memref<1x22xf32, #tpu.memory_space<vmem>>
      %dma_start3A_110 = arith.constant 0 : i32
      %dma_start3A_111 = tpu.memref_slice %arg2[%squeeze3A_99, %dma_start3A_110] : memref<1000000x22xf32, #tpu.memory_space<hbm>> -> memref<1x22xf32, #tpu.memory_space<hbm>>
      tpu.enqueue_dma source(%dma_start3A_111 : memref<1x22xf32, #tpu.memory_space<hbm>>) target(%dma_start3A_109 : memref<1x22xf32, #tpu.memory_space<vmem>>) target_semaphore(%arg7 : memref<!tpu.dma_semaphore, #tpu.memory_space<semaphore_mem>>)
      %slice3A_112 = vector.extract_strided_slice %get3A_30 {offsets = [6], sizes = [1], strides = [1]} : vector<16xi32> to vector<1xi32>
      %squeeze3A_113 = vector.extract %slice3A_112[0] : i32 from vector<1xi32>
      %mul3A_114 = arith.constant 16 : i32
      %mul3A_115 = arith.muli %scan3A_24, %mul3A_114 : i32
      %add3A_116 = arith.constant 6 : i32
      %add3A_117 = arith.addi %mul3A_115, %add3A_116 : i32
      %dma_start3A_118 = arith.constant 0 : i32
      %dma_start3A_119 = tpu.memref_slice %arg6[%add3A_117, %dma_start3A_118] : memref<512x22xf32, #tpu.memory_space<vmem>> -> memref<1x22xf32, #tpu.memory_space<vmem>>
      %dma_start3A_120 = arith.constant 0 : i32
      %dma_start3A_121 = tpu.memref_slice %arg2[%squeeze3A_113, %dma_start3A_120] : memref<1000000x22xf32, #tpu.memory_space<hbm>> -> memref<1x22xf32, #tpu.memory_space<hbm>>
      %dma_start3A_122 = arith.constant 0 : i32
      %dma_start3A_123 = tpu.memref_slice %arg6[%add3A_117, %dma_start3A_122] : memref<512x22xf32, #tpu.memory_space<vmem>> -> memref<1x22xf32, #tpu.memory_space<vmem>>
      %dma_start3A_124 = arith.constant 0 : i32
      %dma_start3A_125 = tpu.memref_slice %arg2[%squeeze3A_113, %dma_start3A_124] : memref<1000000x22xf32, #tpu.memory_space<hbm>> -> memref<1x22xf32, #tpu.memory_space<hbm>>
      tpu.enqueue_dma source(%dma_start3A_125 : memref<1x22xf32, #tpu.memory_space<hbm>>) target(%dma_start3A_123 : memref<1x22xf32, #tpu.memory_space<vmem>>) target_semaphore(%arg7 : memref<!tpu.dma_semaphore, #tpu.memory_space<semaphore_mem>>)
      %slice3A_126 = vector.extract_strided_slice %get3A_30 {offsets = [7], sizes = [1], strides = [1]} : vector<16xi32> to vector<1xi32>
      %squeeze3A_127 = vector.extract %slice3A_126[0] : i32 from vector<1xi32>
      %mul3A_128 = arith.constant 16 : i32
      %mul3A_129 = arith.muli %scan3A_24, %mul3A_128 : i32
      %add3A_130 = arith.constant 7 : i32
      %add3A_131 = arith.addi %mul3A_129, %add3A_130 : i32
      %dma_start3A_132 = arith.constant 0 : i32
      %dma_start3A_133 = tpu.memref_slice %arg6[%add3A_131, %dma_start3A_132] : memref<512x22xf32, #tpu.memory_space<vmem>> -> memref<1x22xf32, #tpu.memory_space<vmem>>
      %dma_start3A_134 = arith.constant 0 : i32
      %dma_start3A_135 = tpu.memref_slice %arg2[%squeeze3A_127, %dma_start3A_134] : memref<1000000x22xf32, #tpu.memory_space<hbm>> -> memref<1x22xf32, #tpu.memory_space<hbm>>
      %dma_start3A_136 = arith.constant 0 : i32
      %dma_start3A_137 = tpu.memref_slice %arg6[%add3A_131, %dma_start3A_136] : memref<512x22xf32, #tpu.memory_space<vmem>> -> memref<1x22xf32, #tpu.memory_space<vmem>>
      %dma_start3A_138 = arith.constant 0 : i32
      %dma_start3A_139 = tpu.memref_slice %arg2[%squeeze3A_127, %dma_start3A_138] : memref<1000000x22xf32, #tpu.memory_space<hbm>> -> memref<1x22xf32, #tpu.memory_space<hbm>>
      tpu.enqueue_dma source(%dma_start3A_139 : memref<1x22xf32, #tpu.memory_space<hbm>>) target(%dma_start3A_137 : memref<1x22xf32, #tpu.memory_space<vmem>>) target_semaphore(%arg7 : memref<!tpu.dma_semaphore, #tpu.memory_space<semaphore_mem>>)
      %slice3A_140 = vector.extract_strided_slice %get3A_30 {offsets = [8], sizes = [1], strides = [1]} : vector<16xi32> to vector<1xi32>
      %squeeze3A_141 = vector.extract %slice3A_140[0] : i32 from vector<1xi32>
      %mul3A_142 = arith.constant 16 : i32
      %mul3A_143 = arith.muli %scan3A_24, %mul3A_142 : i32
      %add3A_144 = arith.constant 8 : i32
      %add3A_145 = arith.addi %mul3A_143, %add3A_144 : i32
      %dma_start3A_146 = arith.constant 0 : i32
      %dma_start3A_147 = tpu.memref_slice %arg6[%add3A_145, %dma_start3A_146] : memref<512x22xf32, #tpu.memory_space<vmem>> -> memref<1x22xf32, #tpu.memory_space<vmem>>
      %dma_start3A_148 = arith.constant 0 : i32
      %dma_start3A_149 = tpu.memref_slice %arg2[%squeeze3A_141, %dma_start3A_148] : memref<1000000x22xf32, #tpu.memory_space<hbm>> -> memref<1x22xf32, #tpu.memory_space<hbm>>
      %dma_start3A_150 = arith.constant 0 : i32
      %dma_start3A_151 = tpu.memref_slice %arg6[%add3A_145, %dma_start3A_150] : memref<512x22xf32, #tpu.memory_space<vmem>> -> memref<1x22xf32, #tpu.memory_space<vmem>>
      %dma_start3A_152 = arith.constant 0 : i32
      %dma_start3A_153 = tpu.memref_slice %arg2[%squeeze3A_141, %dma_start3A_152] : memref<1000000x22xf32, #tpu.memory_space<hbm>> -> memref<1x22xf32, #tpu.memory_space<hbm>>
      tpu.enqueue_dma source(%dma_start3A_153 : memref<1x22xf32, #tpu.memory_space<hbm>>) target(%dma_start3A_151 : memref<1x22xf32, #tpu.memory_space<vmem>>) target_semaphore(%arg7 : memref<!tpu.dma_semaphore, #tpu.memory_space<semaphore_mem>>)
      %slice3A_154 = vector.extract_strided_slice %get3A_30 {offsets = [9], sizes = [1], strides = [1]} : vector<16xi32> to vector<1xi32>
      %squeeze3A_155 = vector.extract %slice3A_154[0] : i32 from vector<1xi32>
      %mul3A_156 = arith.constant 16 : i32
      %mul3A_157 = arith.muli %scan3A_24, %mul3A_156 : i32
      %add3A_158 = arith.constant 9 : i32
      %add3A_159 = arith.addi %mul3A_157, %add3A_158 : i32
      %dma_start3A_160 = arith.constant 0 : i32
      %dma_start3A_161 = tpu.memref_slice %arg6[%add3A_159, %dma_start3A_160] : memref<512x22xf32, #tpu.memory_space<vmem>> -> memref<1x22xf32, #tpu.memory_space<vmem>>
      %dma_start3A_162 = arith.constant 0 : i32
      %dma_start3A_163 = tpu.memref_slice %arg2[%squeeze3A_155, %dma_start3A_162] : memref<1000000x22xf32, #tpu.memory_space<hbm>> -> memref<1x22xf32, #tpu.memory_space<hbm>>
      %dma_start3A_164 = arith.constant 0 : i32
      %dma_start3A_165 = tpu.memref_slice %arg6[%add3A_159, %dma_start3A_164] : memref<512x22xf32, #tpu.memory_space<vmem>> -> memref<1x22xf32, #tpu.memory_space<vmem>>
      %dma_start3A_166 = arith.constant 0 : i32
      %dma_start3A_167 = tpu.memref_slice %arg2[%squeeze3A_155, %dma_start3A_166] : memref<1000000x22xf32, #tpu.memory_space<hbm>> -> memref<1x22xf32, #tpu.memory_space<hbm>>
      tpu.enqueue_dma source(%dma_start3A_167 : memref<1x22xf32, #tpu.memory_space<hbm>>) target(%dma_start3A_165 : memref<1x22xf32, #tpu.memory_space<vmem>>) target_semaphore(%arg7 : memref<!tpu.dma_semaphore, #tpu.memory_space<semaphore_mem>>)
      %slice3A_168 = vector.extract_strided_slice %get3A_30 {offsets = [10], sizes = [1], strides = [1]} : vector<16xi32> to vector<1xi32>
      %squeeze3A_169 = vector.extract %slice3A_168[0] : i32 from vector<1xi32>
      %mul3A_170 = arith.constant 16 : i32
      %mul3A_171 = arith.muli %scan3A_24, %mul3A_170 : i32
      %add3A_172 = arith.constant 10 : i32
      %add3A_173 = arith.addi %mul3A_171, %add3A_172 : i32
      %dma_start3A_174 = arith.constant 0 : i32
      %dma_start3A_175 = tpu.memref_slice %arg6[%add3A_173, %dma_start3A_174] : memref<512x22xf32, #tpu.memory_space<vmem>> -> memref<1x22xf32, #tpu.memory_space<vmem>>
      %dma_start3A_176 = arith.constant 0 : i32
      %dma_start3A_177 = tpu.memref_slice %arg2[%squeeze3A_169, %dma_start3A_176] : memref<1000000x22xf32, #tpu.memory_space<hbm>> -> memref<1x22xf32, #tpu.memory_space<hbm>>
      %dma_start3A_178 = arith.constant 0 : i32
      %dma_start3A_179 = tpu.memref_slice %arg6[%add3A_173, %dma_start3A_178] : memref<512x22xf32, #tpu.memory_space<vmem>> -> memref<1x22xf32, #tpu.memory_space<vmem>>
      %dma_start3A_180 = arith.constant 0 : i32
      %dma_start3A_181 = tpu.memref_slice %arg2[%squeeze3A_169, %dma_start3A_180] : memref<1000000x22xf32, #tpu.memory_space<hbm>> -> memref<1x22xf32, #tpu.memory_space<hbm>>
      tpu.enqueue_dma source(%dma_start3A_181 : memref<1x22xf32, #tpu.memory_space<hbm>>) target(%dma_start3A_179 : memref<1x22xf32, #tpu.memory_space<vmem>>) target_semaphore(%arg7 : memref<!tpu.dma_semaphore, #tpu.memory_space<semaphore_mem>>)
      %slice3A_182 = vector.extract_strided_slice %get3A_30 {offsets = [11], sizes = [1], strides = [1]} : vector<16xi32> to vector<1xi32>
      %squeeze3A_183 = vector.extract %slice3A_182[0] : i32 from vector<1xi32>
      %mul3A_184 = arith.constant 16 : i32
      %mul3A_185 = arith.muli %scan3A_24, %mul3A_184 : i32
      %add3A_186 = arith.constant 11 : i32
      %add3A_187 = arith.addi %mul3A_185, %add3A_186 : i32
      %dma_start3A_188 = arith.constant 0 : i32
      %dma_start3A_189 = tpu.memref_slice %arg6[%add3A_187, %dma_start3A_188] : memref<512x22xf32, #tpu.memory_space<vmem>> -> memref<1x22xf32, #tpu.memory_space<vmem>>
      %dma_start3A_190 = arith.constant 0 : i32
      %dma_start3A_191 = tpu.memref_slice %arg2[%squeeze3A_183, %dma_start3A_190] : memref<1000000x22xf32, #tpu.memory_space<hbm>> -> memref<1x22xf32, #tpu.memory_space<hbm>>
      %dma_start3A_192 = arith.constant 0 : i32
      %dma_start3A_193 = tpu.memref_slice %arg6[%add3A_187, %dma_start3A_192] : memref<512x22xf32, #tpu.memory_space<vmem>> -> memref<1x22xf32, #tpu.memory_space<vmem>>
      %dma_start3A_194 = arith.constant 0 : i32
      %dma_start3A_195 = tpu.memref_slice %arg2[%squeeze3A_183, %dma_start3A_194] : memref<1000000x22xf32, #tpu.memory_space<hbm>> -> memref<1x22xf32, #tpu.memory_space<hbm>>
      tpu.enqueue_dma source(%dma_start3A_195 : memref<1x22xf32, #tpu.memory_space<hbm>>) target(%dma_start3A_193 : memref<1x22xf32, #tpu.memory_space<vmem>>) target_semaphore(%arg7 : memref<!tpu.dma_semaphore, #tpu.memory_space<semaphore_mem>>)
      %slice3A_196 = vector.extract_strided_slice %get3A_30 {offsets = [12], sizes = [1], strides = [1]} : vector<16xi32> to vector<1xi32>
      %squeeze3A_197 = vector.extract %slice3A_196[0] : i32 from vector<1xi32>
      %mul3A_198 = arith.constant 16 : i32
      %mul3A_199 = arith.muli %scan3A_24, %mul3A_198 : i32
      %add3A_200 = arith.constant 12 : i32
      %add3A_201 = arith.addi %mul3A_199, %add3A_200 : i32
      %dma_start3A_202 = arith.constant 0 : i32
      %dma_start3A_203 = tpu.memref_slice %arg6[%add3A_201, %dma_start3A_202] : memref<512x22xf32, #tpu.memory_space<vmem>> -> memref<1x22xf32, #tpu.memory_space<vmem>>
      %dma_start3A_204 = arith.constant 0 : i32
      %dma_start3A_205 = tpu.memref_slice %arg2[%squeeze3A_197, %dma_start3A_204] : memref<1000000x22xf32, #tpu.memory_space<hbm>> -> memref<1x22xf32, #tpu.memory_space<hbm>>
      %dma_start3A_206 = arith.constant 0 : i32
      %dma_start3A_207 = tpu.memref_slice %arg6[%add3A_201, %dma_start3A_206] : memref<512x22xf32, #tpu.memory_space<vmem>> -> memref<1x22xf32, #tpu.memory_space<vmem>>
      %dma_start3A_208 = arith.constant 0 : i32
      %dma_start3A_209 = tpu.memref_slice %arg2[%squeeze3A_197, %dma_start3A_208] : memref<1000000x22xf32, #tpu.memory_space<hbm>> -> memref<1x22xf32, #tpu.memory_space<hbm>>
      tpu.enqueue_dma source(%dma_start3A_209 : memref<1x22xf32, #tpu.memory_space<hbm>>) target(%dma_start3A_207 : memref<1x22xf32, #tpu.memory_space<vmem>>) target_semaphore(%arg7 : memref<!tpu.dma_semaphore, #tpu.memory_space<semaphore_mem>>)
      %slice3A_210 = vector.extract_strided_slice %get3A_30 {offsets = [13], sizes = [1], strides = [1]} : vector<16xi32> to vector<1xi32>
      %squeeze3A_211 = vector.extract %slice3A_210[0] : i32 from vector<1xi32>
      %mul3A_212 = arith.constant 16 : i32
      %mul3A_213 = arith.muli %scan3A_24, %mul3A_212 : i32
      %add3A_214 = arith.constant 13 : i32
      %add3A_215 = arith.addi %mul3A_213, %add3A_214 : i32
      %dma_start3A_216 = arith.constant 0 : i32
      %dma_start3A_217 = tpu.memref_slice %arg6[%add3A_215, %dma_start3A_216] : memref<512x22xf32, #tpu.memory_space<vmem>> -> memref<1x22xf32, #tpu.memory_space<vmem>>
      %dma_start3A_218 = arith.constant 0 : i32
      %dma_start3A_219 = tpu.memref_slice %arg2[%squeeze3A_211, %dma_start3A_218] : memref<1000000x22xf32, #tpu.memory_space<hbm>> -> memref<1x22xf32, #tpu.memory_space<hbm>>
      %dma_start3A_220 = arith.constant 0 : i32
      %dma_start3A_221 = tpu.memref_slice %arg6[%add3A_215, %dma_start3A_220] : memref<512x22xf32, #tpu.memory_space<vmem>> -> memref<1x22xf32, #tpu.memory_space<vmem>>
      %dma_start3A_222 = arith.constant 0 : i32
      %dma_start3A_223 = tpu.memref_slice %arg2[%squeeze3A_211, %dma_start3A_222] : memref<1000000x22xf32, #tpu.memory_space<hbm>> -> memref<1x22xf32, #tpu.memory_space<hbm>>
      tpu.enqueue_dma source(%dma_start3A_223 : memref<1x22xf32, #tpu.memory_space<hbm>>) target(%dma_start3A_221 : memref<1x22xf32, #tpu.memory_space<vmem>>) target_semaphore(%arg7 : memref<!tpu.dma_semaphore, #tpu.memory_space<semaphore_mem>>)
      %slice3A_224 = vector.extract_strided_slice %get3A_30 {offsets = [14], sizes = [1], strides = [1]} : vector<16xi32> to vector<1xi32>
      %squeeze3A_225 = vector.extract %slice3A_224[0] : i32 from vector<1xi32>
      %mul3A_226 = arith.constant 16 : i32
      %mul3A_227 = arith.muli %scan3A_24, %mul3A_226 : i32
      %add3A_228 = arith.constant 14 : i32
      %add3A_229 = arith.addi %mul3A_227, %add3A_228 : i32
      %dma_start3A_230 = arith.constant 0 : i32
      %dma_start3A_231 = tpu.memref_slice %arg6[%add3A_229, %dma_start3A_230] : memref<512x22xf32, #tpu.memory_space<vmem>> -> memref<1x22xf32, #tpu.memory_space<vmem>>
      %dma_start3A_232 = arith.constant 0 : i32
      %dma_start3A_233 = tpu.memref_slice %arg2[%squeeze3A_225, %dma_start3A_232] : memref<1000000x22xf32, #tpu.memory_space<hbm>> -> memref<1x22xf32, #tpu.memory_space<hbm>>
      %dma_start3A_234 = arith.constant 0 : i32
      %dma_start3A_235 = tpu.memref_slice %arg6[%add3A_229, %dma_start3A_234] : memref<512x22xf32, #tpu.memory_space<vmem>> -> memref<1x22xf32, #tpu.memory_space<vmem>>
      %dma_start3A_236 = arith.constant 0 : i32
      %dma_start3A_237 = tpu.memref_slice %arg2[%squeeze3A_225, %dma_start3A_236] : memref<1000000x22xf32, #tpu.memory_space<hbm>> -> memref<1x22xf32, #tpu.memory_space<hbm>>
      tpu.enqueue_dma source(%dma_start3A_237 : memref<1x22xf32, #tpu.memory_space<hbm>>) target(%dma_start3A_235 : memref<1x22xf32, #tpu.memory_space<vmem>>) target_semaphore(%arg7 : memref<!tpu.dma_semaphore, #tpu.memory_space<semaphore_mem>>)
      %slice3A_238 = vector.extract_strided_slice %get3A_30 {offsets = [15], sizes = [1], strides = [1]} : vector<16xi32> to vector<1xi32>
      %squeeze3A_239 = vector.extract %slice3A_238[0] : i32 from vector<1xi32>
      %mul3A_240 = arith.constant 16 : i32
      %mul3A_241 = arith.muli %scan3A_24, %mul3A_240 : i32
      %add3A_242 = arith.constant 15 : i32
      %add3A_243 = arith.addi %mul3A_241, %add3A_242 : i32
      %dma_start3A_244 = arith.constant 0 : i32
      %dma_start3A_245 = tpu.memref_slice %arg6[%add3A_243, %dma_start3A_244] : memref<512x22xf32, #tpu.memory_space<vmem>> -> memref<1x22xf32, #tpu.memory_space<vmem>>
      %dma_start3A_246 = arith.constant 0 : i32
      %dma_start3A_247 = tpu.memref_slice %arg2[%squeeze3A_239, %dma_start3A_246] : memref<1000000x22xf32, #tpu.memory_space<hbm>> -> memref<1x22xf32, #tpu.memory_space<hbm>>
      %dma_start3A_248 = arith.constant 0 : i32
      %dma_start3A_249 = tpu.memref_slice %arg6[%add3A_243, %dma_start3A_248] : memref<512x22xf32, #tpu.memory_space<vmem>> -> memref<1x22xf32, #tpu.memory_space<vmem>>
      %dma_start3A_250 = arith.constant 0 : i32
      %dma_start3A_251 = tpu.memref_slice %arg2[%squeeze3A_239, %dma_start3A_250] : memref<1000000x22xf32, #tpu.memory_space<hbm>> -> memref<1x22xf32, #tpu.memory_space<hbm>>
      tpu.enqueue_dma source(%dma_start3A_251 : memref<1x22xf32, #tpu.memory_space<hbm>>) target(%dma_start3A_249 : memref<1x22xf32, #tpu.memory_space<vmem>>) target_semaphore(%arg7 : memref<!tpu.dma_semaphore, #tpu.memory_space<semaphore_mem>>)
    }
    %scan3A_5 = arith.constant 32 : i32
    %scan3A_6 = arith.constant 0 : i32
    %scan3A_7 = arith.constant 0 : i32
    %scan3A_8 = arith.constant 512 : i32
    %scan3A_9 = arith.addi %scan3A_7, %scan3A_8 : i32
    %scan3A_10 = arith.constant 1 : i32
    scf.for %scan3A_24 = %scan3A_7 to %scan3A_9 step %scan3A_10  : i32 {
      %dma_wait3A = arith.constant 0 : i32
      %dma_wait3A_25 = arith.constant 0 : i32
      %dma_wait3A_26 = tpu.memref_slice %arg6[%dma_wait3A, %dma_wait3A_25] : memref<512x22xf32, #tpu.memory_space<vmem>> -> memref<1x22xf32, #tpu.memory_space<vmem>>
      %dma_wait3A_27 = arith.constant 0 : i32
      %dma_wait3A_28 = arith.constant 0 : i32
      %dma_wait3A_29 = tpu.memref_slice %arg2[%dma_wait3A_27, %dma_wait3A_28] : memref<1000000x22xf32, #tpu.memory_space<hbm>> -> memref<1x22xf32, #tpu.memory_space<hbm>>
      %dma_wait3A_30 = arith.constant 0 : i32
      %dma_wait3A_31 = arith.constant 0 : i32
      %dma_wait3A_32 = tpu.memref_slice %arg6[%dma_wait3A_30, %dma_wait3A_31] : memref<512x22xf32, #tpu.memory_space<vmem>> -> memref<1x22xf32, #tpu.memory_space<vmem>>
      %dma_wait3A_33 = arith.constant 0 : i32
      %dma_wait3A_34 = arith.constant 0 : i32
      %dma_wait3A_35 = tpu.memref_slice %arg2[%dma_wait3A_33, %dma_wait3A_34] : memref<1000000x22xf32, #tpu.memory_space<hbm>> -> memref<1x22xf32, #tpu.memory_space<hbm>>
      tpu.wait_dma2 semaphore(%arg7 : memref<!tpu.dma_semaphore, #tpu.memory_space<semaphore_mem>>) src(%dma_wait3A_35 : memref<1x22xf32, #tpu.memory_space<hbm>>) dst(%dma_wait3A_32 : memref<1x22xf32, #tpu.memory_space<vmem>>)
    }
    %scan3A_11 = arith.constant 512 : i32
    "tpu.region"() ({
      %run_scoped3A = tpu.sem_alloc : memref<!tpu.dma_semaphore, #tpu.memory_space<semaphore_mem>>
      %dma_start3A = arith.constant 0 : i32
      %dma_start3A_24 = arith.constant 0 : i32
      %dma_start3A_25 = tpu.memref_slice %arg4[%add3A, %dma_start3A, %dma_start3A_24] : memref<32x1024x22xf32, #tpu.memory_space<hbm>> -> memref<1x512x22xf32, #tpu.memory_space<hbm>>
      %dma_start3A_26 = tpu.memref_squeeze %dma_start3A_25 : memref<1x512x22xf32, #tpu.memory_space<hbm>> -> memref<512x22xf32, #tpu.memory_space<hbm>>
      %dma_start3A_27 = arith.constant 0 : i32
      %dma_start3A_28 = arith.constant 0 : i32
      %dma_start3A_29 = tpu.memref_slice %arg4[%add3A, %dma_start3A_27, %dma_start3A_28] : memref<32x1024x22xf32, #tpu.memory_space<hbm>> -> memref<1x512x22xf32, #tpu.memory_space<hbm>>
      %dma_start3A_30 = tpu.memref_squeeze %dma_start3A_29 : memref<1x512x22xf32, #tpu.memory_space<hbm>> -> memref<512x22xf32, #tpu.memory_space<hbm>>
      tpu.enqueue_dma source(%arg6 : memref<512x22xf32, #tpu.memory_space<vmem>>) target(%dma_start3A_30 : memref<512x22xf32, #tpu.memory_space<hbm>>) target_semaphore(%run_scoped3A : memref<!tpu.dma_semaphore, #tpu.memory_space<semaphore_mem>>)
      %dma_wait3A = arith.constant 0 : i32
      %dma_wait3A_31 = arith.constant 0 : i32
      %dma_wait3A_32 = tpu.memref_slice %arg4[%add3A, %dma_wait3A, %dma_wait3A_31] : memref<32x1024x22xf32, #tpu.memory_space<hbm>> -> memref<1x512x22xf32, #tpu.memory_space<hbm>>
      %dma_wait3A_33 = tpu.memref_squeeze %dma_wait3A_32 : memref<1x512x22xf32, #tpu.memory_space<hbm>> -> memref<512x22xf32, #tpu.memory_space<hbm>>
      %dma_wait3A_34 = arith.constant 0 : i32
      %dma_wait3A_35 = arith.constant 0 : i32
      %dma_wait3A_36 = tpu.memref_slice %arg4[%add3A, %dma_wait3A_34, %dma_wait3A_35] : memref<32x1024x22xf32, #tpu.memory_space<hbm>> -> memref<1x512x22xf32, #tpu.memory_space<hbm>>
      %dma_wait3A_37 = tpu.memref_squeeze %dma_wait3A_36 : memref<1x512x22xf32, #tpu.memory_space<hbm>> -> memref<512x22xf32, #tpu.memory_space<hbm>>
      tpu.wait_dma2 semaphore(%run_scoped3A : memref<!tpu.dma_semaphore, #tpu.memory_space<semaphore_mem>>) src(%arg6 : memref<512x22xf32, #tpu.memory_space<vmem>>) dst(%dma_wait3A_37 : memref<512x22xf32, #tpu.memory_space<hbm>>)
      tpu.yield
    }) : () -> ()
    %scan3A_12 = arith.constant 0 : i32
    %scan3A_13 = arith.constant 0 : i32
    %scan3A_14 = arith.constant 32 : i32
    %scan3A_15 = arith.addi %scan3A_13, %scan3A_14 : i32
    %scan3A_16 = arith.constant 1 : i32
    scf.for %scan3A_24 = %scan3A_13 to %scan3A_15 step %scan3A_16  : i32 {
      %mul3A_25 = arith.constant 16 : i32
      %mul3A_26 = arith.muli %scan3A_24, %mul3A_25 : i32
      %add3A_27 = arith.constant 512 : i32
      %add3A_28 = arith.addi %add3A_27, %mul3A_26 : i32
      %get3A = arith.index_cast %add3A_28 : i32 to index
      %get3A_29 = tpu.vector_load %arg5[%get3A] {strides = array<i32>} : memref<1024xi32, #tpu.memory_space<vmem>>, vector<16xi32>,
      %get3A_30 = vector.shape_cast %get3A_29 : vector<16xi32> to vector<16xi32>
      %slice3A = vector.extract_strided_slice %get3A_30 {offsets = [0], sizes = [1], strides = [1]} : vector<16xi32> to vector<1xi32>
      %squeeze3A = vector.extract %slice3A[0] : i32 from vector<1xi32>
      %mul3A_31 = arith.constant 16 : i32
      %mul3A_32 = arith.muli %scan3A_24, %mul3A_31 : i32
      %add3A_33 = arith.constant 0 : i32
      %add3A_34 = arith.addi %mul3A_32, %add3A_33 : i32
      %dma_start3A = arith.constant 0 : i32
      %dma_start3A_35 = tpu.memref_slice %arg6[%add3A_34, %dma_start3A] : memref<512x22xf32, #tpu.memory_space<vmem>> -> memref<1x22xf32, #tpu.memory_space<vmem>>
      %dma_start3A_36 = arith.constant 0 : i32
      %dma_start3A_37 = tpu.memref_slice %arg2[%squeeze3A, %dma_start3A_36] : memref<1000000x22xf32, #tpu.memory_space<hbm>> -> memref<1x22xf32, #tpu.memory_space<hbm>>
      %dma_start3A_38 = arith.constant 0 : i32
      %dma_start3A_39 = tpu.memref_slice %arg6[%add3A_34, %dma_start3A_38] : memref<512x22xf32, #tpu.memory_space<vmem>> -> memref<1x22xf32, #tpu.memory_space<vmem>>
      %dma_start3A_40 = arith.constant 0 : i32
      %dma_start3A_41 = tpu.memref_slice %arg2[%squeeze3A, %dma_start3A_40] : memref<1000000x22xf32, #tpu.memory_space<hbm>> -> memref<1x22xf32, #tpu.memory_space<hbm>>
      tpu.enqueue_dma source(%dma_start3A_41 : memref<1x22xf32, #tpu.memory_space<hbm>>) target(%dma_start3A_39 : memref<1x22xf32, #tpu.memory_space<vmem>>) target_semaphore(%arg7 : memref<!tpu.dma_semaphore, #tpu.memory_space<semaphore_mem>>)
      %slice3A_42 = vector.extract_strided_slice %get3A_30 {offsets = [1], sizes = [1], strides = [1]} : vector<16xi32> to vector<1xi32>
      %squeeze3A_43 = vector.extract %slice3A_42[0] : i32 from vector<1xi32>
      %mul3A_44 = arith.constant 16 : i32
      %mul3A_45 = arith.muli %scan3A_24, %mul3A_44 : i32
      %add3A_46 = arith.constant 1 : i32
      %add3A_47 = arith.addi %mul3A_45, %add3A_46 : i32
      %dma_start3A_48 = arith.constant 0 : i32
      %dma_start3A_49 = tpu.memref_slice %arg6[%add3A_47, %dma_start3A_48] : memref<512x22xf32, #tpu.memory_space<vmem>> -> memref<1x22xf32, #tpu.memory_space<vmem>>
      %dma_start3A_50 = arith.constant 0 : i32
      %dma_start3A_51 = tpu.memref_slice %arg2[%squeeze3A_43, %dma_start3A_50] : memref<1000000x22xf32, #tpu.memory_space<hbm>> -> memref<1x22xf32, #tpu.memory_space<hbm>>
      %dma_start3A_52 = arith.constant 0 : i32
      %dma_start3A_53 = tpu.memref_slice %arg6[%add3A_47, %dma_start3A_52] : memref<512x22xf32, #tpu.memory_space<vmem>> -> memref<1x22xf32, #tpu.memory_space<vmem>>
      %dma_start3A_54 = arith.constant 0 : i32
      %dma_start3A_55 = tpu.memref_slice %arg2[%squeeze3A_43, %dma_start3A_54] : memref<1000000x22xf32, #tpu.memory_space<hbm>> -> memref<1x22xf32, #tpu.memory_space<hbm>>
      tpu.enqueue_dma source(%dma_start3A_55 : memref<1x22xf32, #tpu.memory_space<hbm>>) target(%dma_start3A_53 : memref<1x22xf32, #tpu.memory_space<vmem>>) target_semaphore(%arg7 : memref<!tpu.dma_semaphore, #tpu.memory_space<semaphore_mem>>)
      %slice3A_56 = vector.extract_strided_slice %get3A_30 {offsets = [2], sizes = [1], strides = [1]} : vector<16xi32> to vector<1xi32>
      %squeeze3A_57 = vector.extract %slice3A_56[0] : i32 from vector<1xi32>
      %mul3A_58 = arith.constant 16 : i32
      %mul3A_59 = arith.muli %scan3A_24, %mul3A_58 : i32
      %add3A_60 = arith.constant 2 : i32
      %add3A_61 = arith.addi %mul3A_59, %add3A_60 : i32
      %dma_start3A_62 = arith.constant 0 : i32
      %dma_start3A_63 = tpu.memref_slice %arg6[%add3A_61, %dma_start3A_62] : memref<512x22xf32, #tpu.memory_space<vmem>> -> memref<1x22xf32, #tpu.memory_space<vmem>>
      %dma_start3A_64 = arith.constant 0 : i32
      %dma_start3A_65 = tpu.memref_slice %arg2[%squeeze3A_57, %dma_start3A_64] : memref<1000000x22xf32, #tpu.memory_space<hbm>> -> memref<1x22xf32, #tpu.memory_space<hbm>>
      %dma_start3A_66 = arith.constant 0 : i32
      %dma_start3A_67 = tpu.memref_slice %arg6[%add3A_61, %dma_start3A_66] : memref<512x22xf32, #tpu.memory_space<vmem>> -> memref<1x22xf32, #tpu.memory_space<vmem>>
      %dma_start3A_68 = arith.constant 0 : i32
      %dma_start3A_69 = tpu.memref_slice %arg2[%squeeze3A_57, %dma_start3A_68] : memref<1000000x22xf32, #tpu.memory_space<hbm>> -> memref<1x22xf32, #tpu.memory_space<hbm>>
      tpu.enqueue_dma source(%dma_start3A_69 : memref<1x22xf32, #tpu.memory_space<hbm>>) target(%dma_start3A_67 : memref<1x22xf32, #tpu.memory_space<vmem>>) target_semaphore(%arg7 : memref<!tpu.dma_semaphore, #tpu.memory_space<semaphore_mem>>)
      %slice3A_70 = vector.extract_strided_slice %get3A_30 {offsets = [3], sizes = [1], strides = [1]} : vector<16xi32> to vector<1xi32>
      %squeeze3A_71 = vector.extract %slice3A_70[0] : i32 from vector<1xi32>
      %mul3A_72 = arith.constant 16 : i32
      %mul3A_73 = arith.muli %scan3A_24, %mul3A_72 : i32
      %add3A_74 = arith.constant 3 : i32
      %add3A_75 = arith.addi %mul3A_73, %add3A_74 : i32
      %dma_start3A_76 = arith.constant 0 : i32
      %dma_start3A_77 = tpu.memref_slice %arg6[%add3A_75, %dma_start3A_76] : memref<512x22xf32, #tpu.memory_space<vmem>> -> memref<1x22xf32, #tpu.memory_space<vmem>>
      %dma_start3A_78 = arith.constant 0 : i32
      %dma_start3A_79 = tpu.memref_slice %arg2[%squeeze3A_71, %dma_start3A_78] : memref<1000000x22xf32, #tpu.memory_space<hbm>> -> memref<1x22xf32, #tpu.memory_space<hbm>>
      %dma_start3A_80 = arith.constant 0 : i32
      %dma_start3A_81 = tpu.memref_slice %arg6[%add3A_75, %dma_start3A_80] : memref<512x22xf32, #tpu.memory_space<vmem>> -> memref<1x22xf32, #tpu.memory_space<vmem>>
      %dma_start3A_82 = arith.constant 0 : i32
      %dma_start3A_83 = tpu.memref_slice %arg2[%squeeze3A_71, %dma_start3A_82] : memref<1000000x22xf32, #tpu.memory_space<hbm>> -> memref<1x22xf32, #tpu.memory_space<hbm>>
      tpu.enqueue_dma source(%dma_start3A_83 : memref<1x22xf32, #tpu.memory_space<hbm>>) target(%dma_start3A_81 : memref<1x22xf32, #tpu.memory_space<vmem>>) target_semaphore(%arg7 : memref<!tpu.dma_semaphore, #tpu.memory_space<semaphore_mem>>)
      %slice3A_84 = vector.extract_strided_slice %get3A_30 {offsets = [4], sizes = [1], strides = [1]} : vector<16xi32> to vector<1xi32>
      %squeeze3A_85 = vector.extract %slice3A_84[0] : i32 from vector<1xi32>
      %mul3A_86 = arith.constant 16 : i32
      %mul3A_87 = arith.muli %scan3A_24, %mul3A_86 : i32
      %add3A_88 = arith.constant 4 : i32
      %add3A_89 = arith.addi %mul3A_87, %add3A_88 : i32
      %dma_start3A_90 = arith.constant 0 : i32
      %dma_start3A_91 = tpu.memref_slice %arg6[%add3A_89, %dma_start3A_90] : memref<512x22xf32, #tpu.memory_space<vmem>> -> memref<1x22xf32, #tpu.memory_space<vmem>>
      %dma_start3A_92 = arith.constant 0 : i32
      %dma_start3A_93 = tpu.memref_slice %arg2[%squeeze3A_85, %dma_start3A_92] : memref<1000000x22xf32, #tpu.memory_space<hbm>> -> memref<1x22xf32, #tpu.memory_space<hbm>>
      %dma_start3A_94 = arith.constant 0 : i32
      %dma_start3A_95 = tpu.memref_slice %arg6[%add3A_89, %dma_start3A_94] : memref<512x22xf32, #tpu.memory_space<vmem>> -> memref<1x22xf32, #tpu.memory_space<vmem>>
      %dma_start3A_96 = arith.constant 0 : i32
      %dma_start3A_97 = tpu.memref_slice %arg2[%squeeze3A_85, %dma_start3A_96] : memref<1000000x22xf32, #tpu.memory_space<hbm>> -> memref<1x22xf32, #tpu.memory_space<hbm>>
      tpu.enqueue_dma source(%dma_start3A_97 : memref<1x22xf32, #tpu.memory_space<hbm>>) target(%dma_start3A_95 : memref<1x22xf32, #tpu.memory_space<vmem>>) target_semaphore(%arg7 : memref<!tpu.dma_semaphore, #tpu.memory_space<semaphore_mem>>)
      %slice3A_98 = vector.extract_strided_slice %get3A_30 {offsets = [5], sizes = [1], strides = [1]} : vector<16xi32> to vector<1xi32>
      %squeeze3A_99 = vector.extract %slice3A_98[0] : i32 from vector<1xi32>
      %mul3A_100 = arith.constant 16 : i32
      %mul3A_101 = arith.muli %scan3A_24, %mul3A_100 : i32
      %add3A_102 = arith.constant 5 : i32
      %add3A_103 = arith.addi %mul3A_101, %add3A_102 : i32
      %dma_start3A_104 = arith.constant 0 : i32
      %dma_start3A_105 = tpu.memref_slice %arg6[%add3A_103, %dma_start3A_104] : memref<512x22xf32, #tpu.memory_space<vmem>> -> memref<1x22xf32, #tpu.memory_space<vmem>>
      %dma_start3A_106 = arith.constant 0 : i32
      %dma_start3A_107 = tpu.memref_slice %arg2[%squeeze3A_99, %dma_start3A_106] : memref<1000000x22xf32, #tpu.memory_space<hbm>> -> memref<1x22xf32, #tpu.memory_space<hbm>>
      %dma_start3A_108 = arith.constant 0 : i32
      %dma_start3A_109 = tpu.memref_slice %arg6[%add3A_103, %dma_start3A_108] : memref<512x22xf32, #tpu.memory_space<vmem>> -> memref<1x22xf32, #tpu.memory_space<vmem>>
      %dma_start3A_110 = arith.constant 0 : i32
      %dma_start3A_111 = tpu.memref_slice %arg2[%squeeze3A_99, %dma_start3A_110] : memref<1000000x22xf32, #tpu.memory_space<hbm>> -> memref<1x22xf32, #tpu.memory_space<hbm>>
      tpu.enqueue_dma source(%dma_start3A_111 : memref<1x22xf32, #tpu.memory_space<hbm>>) target(%dma_start3A_109 : memref<1x22xf32, #tpu.memory_space<vmem>>) target_semaphore(%arg7 : memref<!tpu.dma_semaphore, #tpu.memory_space<semaphore_mem>>)
      %slice3A_112 = vector.extract_strided_slice %get3A_30 {offsets = [6], sizes = [1], strides = [1]} : vector<16xi32> to vector<1xi32>
      %squeeze3A_113 = vector.extract %slice3A_112[0] : i32 from vector<1xi32>
      %mul3A_114 = arith.constant 16 : i32
      %mul3A_115 = arith.muli %scan3A_24, %mul3A_114 : i32
      %add3A_116 = arith.constant 6 : i32
      %add3A_117 = arith.addi %mul3A_115, %add3A_116 : i32
      %dma_start3A_118 = arith.constant 0 : i32
      %dma_start3A_119 = tpu.memref_slice %arg6[%add3A_117, %dma_start3A_118] : memref<512x22xf32, #tpu.memory_space<vmem>> -> memref<1x22xf32, #tpu.memory_space<vmem>>
      %dma_start3A_120 = arith.constant 0 : i32
      %dma_start3A_121 = tpu.memref_slice %arg2[%squeeze3A_113, %dma_start3A_120] : memref<1000000x22xf32, #tpu.memory_space<hbm>> -> memref<1x22xf32, #tpu.memory_space<hbm>>
      %dma_start3A_122 = arith.constant 0 : i32
      %dma_start3A_123 = tpu.memref_slice %arg6[%add3A_117, %dma_start3A_122] : memref<512x22xf32, #tpu.memory_space<vmem>> -> memref<1x22xf32, #tpu.memory_space<vmem>>
      %dma_start3A_124 = arith.constant 0 : i32
      %dma_start3A_125 = tpu.memref_slice %arg2[%squeeze3A_113, %dma_start3A_124] : memref<1000000x22xf32, #tpu.memory_space<hbm>> -> memref<1x22xf32, #tpu.memory_space<hbm>>
      tpu.enqueue_dma source(%dma_start3A_125 : memref<1x22xf32, #tpu.memory_space<hbm>>) target(%dma_start3A_123 : memref<1x22xf32, #tpu.memory_space<vmem>>) target_semaphore(%arg7 : memref<!tpu.dma_semaphore, #tpu.memory_space<semaphore_mem>>)
      %slice3A_126 = vector.extract_strided_slice %get3A_30 {offsets = [7], sizes = [1], strides = [1]} : vector<16xi32> to vector<1xi32>
      %squeeze3A_127 = vector.extract %slice3A_126[0] : i32 from vector<1xi32>
      %mul3A_128 = arith.constant 16 : i32
      %mul3A_129 = arith.muli %scan3A_24, %mul3A_128 : i32
      %add3A_130 = arith.constant 7 : i32
      %add3A_131 = arith.addi %mul3A_129, %add3A_130 : i32
      %dma_start3A_132 = arith.constant 0 : i32
      %dma_start3A_133 = tpu.memref_slice %arg6[%add3A_131, %dma_start3A_132] : memref<512x22xf32, #tpu.memory_space<vmem>> -> memref<1x22xf32, #tpu.memory_space<vmem>>
      %dma_start3A_134 = arith.constant 0 : i32
      %dma_start3A_135 = tpu.memref_slice %arg2[%squeeze3A_127, %dma_start3A_134] : memref<1000000x22xf32, #tpu.memory_space<hbm>> -> memref<1x22xf32, #tpu.memory_space<hbm>>
      %dma_start3A_136 = arith.constant 0 : i32
      %dma_start3A_137 = tpu.memref_slice %arg6[%add3A_131, %dma_start3A_136] : memref<512x22xf32, #tpu.memory_space<vmem>> -> memref<1x22xf32, #tpu.memory_space<vmem>>
      %dma_start3A_138 = arith.constant 0 : i32
      %dma_start3A_139 = tpu.memref_slice %arg2[%squeeze3A_127, %dma_start3A_138] : memref<1000000x22xf32, #tpu.memory_space<hbm>> -> memref<1x22xf32, #tpu.memory_space<hbm>>
      tpu.enqueue_dma source(%dma_start3A_139 : memref<1x22xf32, #tpu.memory_space<hbm>>) target(%dma_start3A_137 : memref<1x22xf32, #tpu.memory_space<vmem>>) target_semaphore(%arg7 : memref<!tpu.dma_semaphore, #tpu.memory_space<semaphore_mem>>)
      %slice3A_140 = vector.extract_strided_slice %get3A_30 {offsets = [8], sizes = [1], strides = [1]} : vector<16xi32> to vector<1xi32>
      %squeeze3A_141 = vector.extract %slice3A_140[0] : i32 from vector<1xi32>
      %mul3A_142 = arith.constant 16 : i32
      %mul3A_143 = arith.muli %scan3A_24, %mul3A_142 : i32
      %add3A_144 = arith.constant 8 : i32
      %add3A_145 = arith.addi %mul3A_143, %add3A_144 : i32
      %dma_start3A_146 = arith.constant 0 : i32
      %dma_start3A_147 = tpu.memref_slice %arg6[%add3A_145, %dma_start3A_146] : memref<512x22xf32, #tpu.memory_space<vmem>> -> memref<1x22xf32, #tpu.memory_space<vmem>>
      %dma_start3A_148 = arith.constant 0 : i32
      %dma_start3A_149 = tpu.memref_slice %arg2[%squeeze3A_141, %dma_start3A_148] : memref<1000000x22xf32, #tpu.memory_space<hbm>> -> memref<1x22xf32, #tpu.memory_space<hbm>>
      %dma_start3A_150 = arith.constant 0 : i32
      %dma_start3A_151 = tpu.memref_slice %arg6[%add3A_145, %dma_start3A_150] : memref<512x22xf32, #tpu.memory_space<vmem>> -> memref<1x22xf32, #tpu.memory_space<vmem>>
      %dma_start3A_152 = arith.constant 0 : i32
      %dma_start3A_153 = tpu.memref_slice %arg2[%squeeze3A_141, %dma_start3A_152] : memref<1000000x22xf32, #tpu.memory_space<hbm>> -> memref<1x22xf32, #tpu.memory_space<hbm>>
      tpu.enqueue_dma source(%dma_start3A_153 : memref<1x22xf32, #tpu.memory_space<hbm>>) target(%dma_start3A_151 : memref<1x22xf32, #tpu.memory_space<vmem>>) target_semaphore(%arg7 : memref<!tpu.dma_semaphore, #tpu.memory_space<semaphore_mem>>)
      %slice3A_154 = vector.extract_strided_slice %get3A_30 {offsets = [9], sizes = [1], strides = [1]} : vector<16xi32> to vector<1xi32>
      %squeeze3A_155 = vector.extract %slice3A_154[0] : i32 from vector<1xi32>
      %mul3A_156 = arith.constant 16 : i32
      %mul3A_157 = arith.muli %scan3A_24, %mul3A_156 : i32
      %add3A_158 = arith.constant 9 : i32
      %add3A_159 = arith.addi %mul3A_157, %add3A_158 : i32
      %dma_start3A_160 = arith.constant 0 : i32
      %dma_start3A_161 = tpu.memref_slice %arg6[%add3A_159, %dma_start3A_160] : memref<512x22xf32, #tpu.memory_space<vmem>> -> memref<1x22xf32, #tpu.memory_space<vmem>>
      %dma_start3A_162 = arith.constant 0 : i32
      %dma_start3A_163 = tpu.memref_slice %arg2[%squeeze3A_155, %dma_start3A_162] : memref<1000000x22xf32, #tpu.memory_space<hbm>> -> memref<1x22xf32, #tpu.memory_space<hbm>>
      %dma_start3A_164 = arith.constant 0 : i32
      %dma_start3A_165 = tpu.memref_slice %arg6[%add3A_159, %dma_start3A_164] : memref<512x22xf32, #tpu.memory_space<vmem>> -> memref<1x22xf32, #tpu.memory_space<vmem>>
      %dma_start3A_166 = arith.constant 0 : i32
      %dma_start3A_167 = tpu.memref_slice %arg2[%squeeze3A_155, %dma_start3A_166] : memref<1000000x22xf32, #tpu.memory_space<hbm>> -> memref<1x22xf32, #tpu.memory_space<hbm>>
      tpu.enqueue_dma source(%dma_start3A_167 : memref<1x22xf32, #tpu.memory_space<hbm>>) target(%dma_start3A_165 : memref<1x22xf32, #tpu.memory_space<vmem>>) target_semaphore(%arg7 : memref<!tpu.dma_semaphore, #tpu.memory_space<semaphore_mem>>)
      %slice3A_168 = vector.extract_strided_slice %get3A_30 {offsets = [10], sizes = [1], strides = [1]} : vector<16xi32> to vector<1xi32>
      %squeeze3A_169 = vector.extract %slice3A_168[0] : i32 from vector<1xi32>
      %mul3A_170 = arith.constant 16 : i32
      %mul3A_171 = arith.muli %scan3A_24, %mul3A_170 : i32
      %add3A_172 = arith.constant 10 : i32
      %add3A_173 = arith.addi %mul3A_171, %add3A_172 : i32
      %dma_start3A_174 = arith.constant 0 : i32
      %dma_start3A_175 = tpu.memref_slice %arg6[%add3A_173, %dma_start3A_174] : memref<512x22xf32, #tpu.memory_space<vmem>> -> memref<1x22xf32, #tpu.memory_space<vmem>>
      %dma_start3A_176 = arith.constant 0 : i32
      %dma_start3A_177 = tpu.memref_slice %arg2[%squeeze3A_169, %dma_start3A_176] : memref<1000000x22xf32, #tpu.memory_space<hbm>> -> memref<1x22xf32, #tpu.memory_space<hbm>>
      %dma_start3A_178 = arith.constant 0 : i32
      %dma_start3A_179 = tpu.memref_slice %arg6[%add3A_173, %dma_start3A_178] : memref<512x22xf32, #tpu.memory_space<vmem>> -> memref<1x22xf32, #tpu.memory_space<vmem>>
      %dma_start3A_180 = arith.constant 0 : i32
      %dma_start3A_181 = tpu.memref_slice %arg2[%squeeze3A_169, %dma_start3A_180] : memref<1000000x22xf32, #tpu.memory_space<hbm>> -> memref<1x22xf32, #tpu.memory_space<hbm>>
      tpu.enqueue_dma source(%dma_start3A_181 : memref<1x22xf32, #tpu.memory_space<hbm>>) target(%dma_start3A_179 : memref<1x22xf32, #tpu.memory_space<vmem>>) target_semaphore(%arg7 : memref<!tpu.dma_semaphore, #tpu.memory_space<semaphore_mem>>)
      %slice3A_182 = vector.extract_strided_slice %get3A_30 {offsets = [11], sizes = [1], strides = [1]} : vector<16xi32> to vector<1xi32>
      %squeeze3A_183 = vector.extract %slice3A_182[0] : i32 from vector<1xi32>
      %mul3A_184 = arith.constant 16 : i32
      %mul3A_185 = arith.muli %scan3A_24, %mul3A_184 : i32
      %add3A_186 = arith.constant 11 : i32
      %add3A_187 = arith.addi %mul3A_185, %add3A_186 : i32
      %dma_start3A_188 = arith.constant 0 : i32
      %dma_start3A_189 = tpu.memref_slice %arg6[%add3A_187, %dma_start3A_188] : memref<512x22xf32, #tpu.memory_space<vmem>> -> memref<1x22xf32, #tpu.memory_space<vmem>>
      %dma_start3A_190 = arith.constant 0 : i32
      %dma_start3A_191 = tpu.memref_slice %arg2[%squeeze3A_183, %dma_start3A_190] : memref<1000000x22xf32, #tpu.memory_space<hbm>> -> memref<1x22xf32, #tpu.memory_space<hbm>>
      %dma_start3A_192 = arith.constant 0 : i32
      %dma_start3A_193 = tpu.memref_slice %arg6[%add3A_187, %dma_start3A_192] : memref<512x22xf32, #tpu.memory_space<vmem>> -> memref<1x22xf32, #tpu.memory_space<vmem>>
      %dma_start3A_194 = arith.constant 0 : i32
      %dma_start3A_195 = tpu.memref_slice %arg2[%squeeze3A_183, %dma_start3A_194] : memref<1000000x22xf32, #tpu.memory_space<hbm>> -> memref<1x22xf32, #tpu.memory_space<hbm>>
      tpu.enqueue_dma source(%dma_start3A_195 : memref<1x22xf32, #tpu.memory_space<hbm>>) target(%dma_start3A_193 : memref<1x22xf32, #tpu.memory_space<vmem>>) target_semaphore(%arg7 : memref<!tpu.dma_semaphore, #tpu.memory_space<semaphore_mem>>)
      %slice3A_196 = vector.extract_strided_slice %get3A_30 {offsets = [12], sizes = [1], strides = [1]} : vector<16xi32> to vector<1xi32>
      %squeeze3A_197 = vector.extract %slice3A_196[0] : i32 from vector<1xi32>
      %mul3A_198 = arith.constant 16 : i32
      %mul3A_199 = arith.muli %scan3A_24, %mul3A_198 : i32
      %add3A_200 = arith.constant 12 : i32
      %add3A_201 = arith.addi %mul3A_199, %add3A_200 : i32
      %dma_start3A_202 = arith.constant 0 : i32
      %dma_start3A_203 = tpu.memref_slice %arg6[%add3A_201, %dma_start3A_202] : memref<512x22xf32, #tpu.memory_space<vmem>> -> memref<1x22xf32, #tpu.memory_space<vmem>>
      %dma_start3A_204 = arith.constant 0 : i32
      %dma_start3A_205 = tpu.memref_slice %arg2[%squeeze3A_197, %dma_start3A_204] : memref<1000000x22xf32, #tpu.memory_space<hbm>> -> memref<1x22xf32, #tpu.memory_space<hbm>>
      %dma_start3A_206 = arith.constant 0 : i32
      %dma_start3A_207 = tpu.memref_slice %arg6[%add3A_201, %dma_start3A_206] : memref<512x22xf32, #tpu.memory_space<vmem>> -> memref<1x22xf32, #tpu.memory_space<vmem>>
      %dma_start3A_208 = arith.constant 0 : i32
      %dma_start3A_209 = tpu.memref_slice %arg2[%squeeze3A_197, %dma_start3A_208] : memref<1000000x22xf32, #tpu.memory_space<hbm>> -> memref<1x22xf32, #tpu.memory_space<hbm>>
      tpu.enqueue_dma source(%dma_start3A_209 : memref<1x22xf32, #tpu.memory_space<hbm>>) target(%dma_start3A_207 : memref<1x22xf32, #tpu.memory_space<vmem>>) target_semaphore(%arg7 : memref<!tpu.dma_semaphore, #tpu.memory_space<semaphore_mem>>)
      %slice3A_210 = vector.extract_strided_slice %get3A_30 {offsets = [13], sizes = [1], strides = [1]} : vector<16xi32> to vector<1xi32>
      %squeeze3A_211 = vector.extract %slice3A_210[0] : i32 from vector<1xi32>
      %mul3A_212 = arith.constant 16 : i32
      %mul3A_213 = arith.muli %scan3A_24, %mul3A_212 : i32
      %add3A_214 = arith.constant 13 : i32
      %add3A_215 = arith.addi %mul3A_213, %add3A_214 : i32
      %dma_start3A_216 = arith.constant 0 : i32
      %dma_start3A_217 = tpu.memref_slice %arg6[%add3A_215, %dma_start3A_216] : memref<512x22xf32, #tpu.memory_space<vmem>> -> memref<1x22xf32, #tpu.memory_space<vmem>>
      %dma_start3A_218 = arith.constant 0 : i32
      %dma_start3A_219 = tpu.memref_slice %arg2[%squeeze3A_211, %dma_start3A_218] : memref<1000000x22xf32, #tpu.memory_space<hbm>> -> memref<1x22xf32, #tpu.memory_space<hbm>>
      %dma_start3A_220 = arith.constant 0 : i32
      %dma_start3A_221 = tpu.memref_slice %arg6[%add3A_215, %dma_start3A_220] : memref<512x22xf32, #tpu.memory_space<vmem>> -> memref<1x22xf32, #tpu.memory_space<vmem>>
      %dma_start3A_222 = arith.constant 0 : i32
      %dma_start3A_223 = tpu.memref_slice %arg2[%squeeze3A_211, %dma_start3A_222] : memref<1000000x22xf32, #tpu.memory_space<hbm>> -> memref<1x22xf32, #tpu.memory_space<hbm>>
      tpu.enqueue_dma source(%dma_start3A_223 : memref<1x22xf32, #tpu.memory_space<hbm>>) target(%dma_start3A_221 : memref<1x22xf32, #tpu.memory_space<vmem>>) target_semaphore(%arg7 : memref<!tpu.dma_semaphore, #tpu.memory_space<semaphore_mem>>)
      %slice3A_224 = vector.extract_strided_slice %get3A_30 {offsets = [14], sizes = [1], strides = [1]} : vector<16xi32> to vector<1xi32>
      %squeeze3A_225 = vector.extract %slice3A_224[0] : i32 from vector<1xi32>
      %mul3A_226 = arith.constant 16 : i32
      %mul3A_227 = arith.muli %scan3A_24, %mul3A_226 : i32
      %add3A_228 = arith.constant 14 : i32
      %add3A_229 = arith.addi %mul3A_227, %add3A_228 : i32
      %dma_start3A_230 = arith.constant 0 : i32
      %dma_start3A_231 = tpu.memref_slice %arg6[%add3A_229, %dma_start3A_230] : memref<512x22xf32, #tpu.memory_space<vmem>> -> memref<1x22xf32, #tpu.memory_space<vmem>>
      %dma_start3A_232 = arith.constant 0 : i32
      %dma_start3A_233 = tpu.memref_slice %arg2[%squeeze3A_225, %dma_start3A_232] : memref<1000000x22xf32, #tpu.memory_space<hbm>> -> memref<1x22xf32, #tpu.memory_space<hbm>>
      %dma_start3A_234 = arith.constant 0 : i32
      %dma_start3A_235 = tpu.memref_slice %arg6[%add3A_229, %dma_start3A_234] : memref<512x22xf32, #tpu.memory_space<vmem>> -> memref<1x22xf32, #tpu.memory_space<vmem>>
      %dma_start3A_236 = arith.constant 0 : i32
      %dma_start3A_237 = tpu.memref_slice %arg2[%squeeze3A_225, %dma_start3A_236] : memref<1000000x22xf32, #tpu.memory_space<hbm>> -> memref<1x22xf32, #tpu.memory_space<hbm>>
      tpu.enqueue_dma source(%dma_start3A_237 : memref<1x22xf32, #tpu.memory_space<hbm>>) target(%dma_start3A_235 : memref<1x22xf32, #tpu.memory_space<vmem>>) target_semaphore(%arg7 : memref<!tpu.dma_semaphore, #tpu.memory_space<semaphore_mem>>)
      %slice3A_238 = vector.extract_strided_slice %get3A_30 {offsets = [15], sizes = [1], strides = [1]} : vector<16xi32> to vector<1xi32>
      %squeeze3A_239 = vector.extract %slice3A_238[0] : i32 from vector<1xi32>
      %mul3A_240 = arith.constant 16 : i32
      %mul3A_241 = arith.muli %scan3A_24, %mul3A_240 : i32
      %add3A_242 = arith.constant 15 : i32
      %add3A_243 = arith.addi %mul3A_241, %add3A_242 : i32
      %dma_start3A_244 = arith.constant 0 : i32
      %dma_start3A_245 = tpu.memref_slice %arg6[%add3A_243, %dma_start3A_244] : memref<512x22xf32, #tpu.memory_space<vmem>> -> memref<1x22xf32, #tpu.memory_space<vmem>>
      %dma_start3A_246 = arith.constant 0 : i32
      %dma_start3A_247 = tpu.memref_slice %arg2[%squeeze3A_239, %dma_start3A_246] : memref<1000000x22xf32, #tpu.memory_space<hbm>> -> memref<1x22xf32, #tpu.memory_space<hbm>>
      %dma_start3A_248 = arith.constant 0 : i32
      %dma_start3A_249 = tpu.memref_slice %arg6[%add3A_243, %dma_start3A_248] : memref<512x22xf32, #tpu.memory_space<vmem>> -> memref<1x22xf32, #tpu.memory_space<vmem>>
      %dma_start3A_250 = arith.constant 0 : i32
      %dma_start3A_251 = tpu.memref_slice %arg2[%squeeze3A_239, %dma_start3A_250] : memref<1000000x22xf32, #tpu.memory_space<hbm>> -> memref<1x22xf32, #tpu.memory_space<hbm>>
      tpu.enqueue_dma source(%dma_start3A_251 : memref<1x22xf32, #tpu.memory_space<hbm>>) target(%dma_start3A_249 : memref<1x22xf32, #tpu.memory_space<vmem>>) target_semaphore(%arg7 : memref<!tpu.dma_semaphore, #tpu.memory_space<semaphore_mem>>)
    }
    %scan3A_17 = arith.constant 32 : i32
    %scan3A_18 = arith.constant 0 : i32
    %scan3A_19 = arith.constant 0 : i32
    %scan3A_20 = arith.constant 512 : i32
    %scan3A_21 = arith.addi %scan3A_19, %scan3A_20 : i32
    %scan3A_22 = arith.constant 1 : i32
    scf.for %scan3A_24 = %scan3A_19 to %scan3A_21 step %scan3A_22  : i32 {
      %dma_wait3A = arith.constant 0 : i32
      %dma_wait3A_25 = arith.constant 0 : i32
      %dma_wait3A_26 = tpu.memref_slice %arg6[%dma_wait3A, %dma_wait3A_25] : memref<512x22xf32, #tpu.memory_space<vmem>> -> memref<1x22xf32, #tpu.memory_space<vmem>>
      %dma_wait3A_27 = arith.constant 0 : i32
      %dma_wait3A_28 = arith.constant 0 : i32
      %dma_wait3A_29 = tpu.memref_slice %arg2[%dma_wait3A_27, %dma_wait3A_28] : memref<1000000x22xf32, #tpu.memory_space<hbm>> -> memref<1x22xf32, #tpu.memory_space<hbm>>
      %dma_wait3A_30 = arith.constant 0 : i32
      %dma_wait3A_31 = arith.constant 0 : i32
      %dma_wait3A_32 = tpu.memref_slice %arg6[%dma_wait3A_30, %dma_wait3A_31] : memref<512x22xf32, #tpu.memory_space<vmem>> -> memref<1x22xf32, #tpu.memory_space<vmem>>
      %dma_wait3A_33 = arith.constant 0 : i32
      %dma_wait3A_34 = arith.constant 0 : i32
      %dma_wait3A_35 = tpu.memref_slice %arg2[%dma_wait3A_33, %dma_wait3A_34] : memref<1000000x22xf32, #tpu.memory_space<hbm>> -> memref<1x22xf32, #tpu.memory_space<hbm>>
      tpu.wait_dma2 semaphore(%arg7 : memref<!tpu.dma_semaphore, #tpu.memory_space<semaphore_mem>>) src(%dma_wait3A_35 : memref<1x22xf32, #tpu.memory_space<hbm>>) dst(%dma_wait3A_32 : memref<1x22xf32, #tpu.memory_space<vmem>>)
    }
    %scan3A_23 = arith.constant 512 : i32
    "tpu.region"() ({
      %run_scoped3A = tpu.sem_alloc : memref<!tpu.dma_semaphore, #tpu.memory_space<semaphore_mem>>
      %dma_start3A = arith.constant 512 : i32
      %dma_start3A_24 = arith.constant 0 : i32
      %dma_start3A_25 = tpu.memref_slice %arg4[%add3A, %dma_start3A, %dma_start3A_24] : memref<32x1024x22xf32, #tpu.memory_space<hbm>> -> memref<1x512x22xf32, #tpu.memory_space<hbm>>
      %dma_start3A_26 = tpu.memref_squeeze %dma_start3A_25 : memref<1x512x22xf32, #tpu.memory_space<hbm>> -> memref<512x22xf32, #tpu.memory_space<hbm>>
      %dma_start3A_27 = arith.constant 512 : i32
      %dma_start3A_28 = arith.constant 0 : i32
      %dma_start3A_29 = tpu.memref_slice %arg4[%add3A, %dma_start3A_27, %dma_start3A_28] : memref<32x1024x22xf32, #tpu.memory_space<hbm>> -> memref<1x512x22xf32, #tpu.memory_space<hbm>>
      %dma_start3A_30 = tpu.memref_squeeze %dma_start3A_29 : memref<1x512x22xf32, #tpu.memory_space<hbm>> -> memref<512x22xf32, #tpu.memory_space<hbm>>
      tpu.enqueue_dma source(%arg6 : memref<512x22xf32, #tpu.memory_space<vmem>>) target(%dma_start3A_30 : memref<512x22xf32, #tpu.memory_space<hbm>>) target_semaphore(%run_scoped3A : memref<!tpu.dma_semaphore, #tpu.memory_space<semaphore_mem>>)
      %dma_wait3A = arith.constant 512 : i32
      %dma_wait3A_31 = arith.constant 0 : i32
      %dma_wait3A_32 = tpu.memref_slice %arg4[%add3A, %dma_wait3A, %dma_wait3A_31] : memref<32x1024x22xf32, #tpu.memory_space<hbm>> -> memref<1x512x22xf32, #tpu.memory_space<hbm>>
      %dma_wait3A_33 = tpu.memref_squeeze %dma_wait3A_32 : memref<1x512x22xf32, #tpu.memory_space<hbm>> -> memref<512x22xf32, #tpu.memory_space<hbm>>
      %dma_wait3A_34 = arith.constant 512 : i32
      %dma_wait3A_35 = arith.constant 0 : i32
      %dma_wait3A_36 = tpu.memref_slice %arg4[%add3A, %dma_wait3A_34, %dma_wait3A_35] : memref<32x1024x22xf32, #tpu.memory_space<hbm>> -> memref<1x512x22xf32, #tpu.memory_space<hbm>>
      %dma_wait3A_37 = tpu.memref_squeeze %dma_wait3A_36 : memref<1x512x22xf32, #tpu.memory_space<hbm>> -> memref<512x22xf32, #tpu.memory_space<hbm>>
      tpu.wait_dma2 semaphore(%run_scoped3A : memref<!tpu.dma_semaphore, #tpu.memory_space<semaphore_mem>>) src(%arg6 : memref<512x22xf32, #tpu.memory_space<vmem>>) dst(%dma_wait3A_37 : memref<512x22xf32, #tpu.memory_space<hbm>>)
      tpu.yield
    }) : () -> ()
    return
  }
}

module attributes {stable_mosaic.version = 14 : i64} {
  func.func @_mlp_body(%arg0: i32, %arg1: memref<512x64xi32, #tpu.memory_space<vmem>>, %arg2: memref<512x22xf32, #tpu.memory_space<vmem>>, %arg3: memref<512x22xf32, #tpu.memory_space<vmem>>, %arg4: memref<64x2048xbf16, #tpu.memory_space<vmem>>, %arg5: memref<2048x36xf32, #tpu.memory_space<vmem>>, %arg6: memref<22x36xf32, #tpu.memory_space<vmem>>, %arg7: memref<22x36xf32, #tpu.memory_space<vmem>>, %arg8: memref<1x36xf32, #tpu.memory_space<vmem>>, %arg9: memref<36x20xf32, #tpu.memory_space<vmem>>, %arg10: memref<1x20xf32, #tpu.memory_space<vmem>>, %arg11: memref<20x12xf32, #tpu.memory_space<vmem>>, %arg12: memref<1x12xf32, #tpu.memory_space<vmem>>, %arg13: memref<12x1xf32, #tpu.memory_space<vmem>>, %arg14: memref<1x1xf32, #tpu.memory_space<vmem>>, %arg15: memref<512x1xf32, #tpu.memory_space<vmem>>) attributes {dimension_semantics = [#tpu.dimension_semantics<arbitrary>], iteration_bounds = array<i64: 32>, scalar_prefetch = 0 : i64, scratch_operands = 0 : i64, tpu.core_type = #tpu.core_type<tc>, window_params = [{transform_indices = @transform_0, window_bounds = array<i64: 512, 64>}, {transform_indices = @transform_1, window_bounds = array<i64: 512, 22>}, {transform_indices = @transform_2, window_bounds = array<i64: 512, 22>}, {pipeline_mode = #tpu.pipeline_mode<synchronous>, transform_indices = @transform_3, window_bounds = array<i64: 64, 2048>}, {pipeline_mode = #tpu.pipeline_mode<synchronous>, transform_indices = @transform_4, window_bounds = array<i64: 2048, 36>}, {pipeline_mode = #tpu.pipeline_mode<synchronous>, transform_indices = @transform_5, window_bounds = array<i64: 22, 36>}, {pipeline_mode = #tpu.pipeline_mode<synchronous>, transform_indices = @transform_6, window_bounds = array<i64: 22, 36>}, {pipeline_mode = #tpu.pipeline_mode<synchronous>, transform_indices = @transform_7, window_bounds = array<i64: 1, 36>}, {pipeline_mode = #tpu.pipeline_mode<synchronous>, transform_indices = @transform_8, window_bounds = array<i64: 36, 20>}, {pipeline_mode = #tpu.pipeline_mode<synchronous>, transform_indices = @transform_9, window_bounds = array<i64: 1, 20>}, {pipeline_mode = #tpu.pipeline_mode<synchronous>, transform_indices = @transform_10, window_bounds = array<i64: 20, 12>}, {pipeline_mode = #tpu.pipeline_mode<synchronous>, transform_indices = @transform_11, window_bounds = array<i64: 1, 12>}, {pipeline_mode = #tpu.pipeline_mode<synchronous>, transform_indices = @transform_12, window_bounds = array<i64: 12, 1>}, {pipeline_mode = #tpu.pipeline_mode<synchronous>, transform_indices = @transform_13, window_bounds = array<i64: 1, 1>}, {transform_indices = @transform_14, window_bounds = array<i64: 512, 1>}]} {
    %get3A = arith.constant 0 : index
    %get3A_0 = arith.constant 0 : index
    %get3A_1 = vector.load %arg1[%get3A, %get3A_0] : memref<512x64xi32, #tpu.memory_space<vmem>>, vector<512x64xi32>
    %convert_element_type3A = arith.sitofp %get3A_1 : vector<512x64xi32> to vector<512x64xbf16>
    %get3A_2 = arith.constant 0 : index
    %get3A_3 = arith.constant 0 : index
    %get3A_4 = vector.load %arg4[%get3A_2, %get3A_3] : memref<64x2048xbf16, #tpu.memory_space<vmem>>, vector<64x2048xbf16>
    %dot_general3A = arith.constant dense<0.000000e+00> : vector<512x2048xf32>
    %dot_general3A_5 = tpu.matmul %convert_element_type3A, %get3A_4, %dot_general3A {dimension_numbers = #tpu.dot_dimension_numbers<[1], [0], [0], [1], [0, 0, 1, 1], [], []>, transpose_lhs_hint = false} : vector<512x64xbf16>, vector<64x2048xbf16>, vector<512x2048xf32> -> vector<512x2048xf32>
    %iota3A = tpu.iota {dimensions = array<i32: 1>} : vector<512x2048xi32>
    %and3A = arith.constant 31 : i32
    %and3A_6 = vector.broadcast %and3A : i32 to vector<512x2048xi32>
    %and3A_7 = arith.andi %iota3A, %and3A_6 : vector<512x2048xi32>
    %convert_element_type3A_8 = arith.sitofp %and3A_7 : vector<512x2048xi32> to vector<512x2048xf32>
    %eq3A = arith.cmpf oeq, %dot_general3A_5, %convert_element_type3A_8 : vector<512x2048xf32>
    %jit3A = arith.constant 1.000000e+00 : f32
    %jit3A_9 = arith.constant 0.000000e+00 : f32
    %broadcast_in_dim3A = vector.broadcast %jit3A : f32 to vector<512x2048xf32>
    %broadcast_in_dim3A_10 = vector.broadcast %jit3A_9 : f32 to vector<512x2048xf32>
    %select_n3A = arith.select %eq3A, %broadcast_in_dim3A, %broadcast_in_dim3A_10 : vector<512x2048xi1>, vector<512x2048xf32>
    %get3A_11 = arith.constant 0 : index
    %get3A_12 = arith.constant 0 : index
    %get3A_13 = vector.load %arg5[%get3A_11, %get3A_12] : memref<2048x36xf32, #tpu.memory_space<vmem>>, vector<2048x36xf32>
    %dot_general3A_14 = arith.constant dense<0.000000e+00> : vector<512x36xf32>
    %dot_general3A_15 = tpu.matmul %select_n3A, %get3A_13, %dot_general3A_14 {dimension_numbers = #tpu.dot_dimension_numbers<[1], [0], [0], [1], [0, 0, 1, 1], [], []>, transpose_lhs_hint = false} : vector<512x2048xf32>, vector<2048x36xf32>, vector<512x36xf32> -> vector<512x36xf32>
    %get3A_16 = arith.constant 0 : index
    %get3A_17 = arith.constant 0 : index
    %get3A_18 = vector.load %arg2[%get3A_16, %get3A_17] : memref<512x22xf32, #tpu.memory_space<vmem>>, vector<512x22xf32>
    %get3A_19 = arith.constant 0 : index
    %get3A_20 = arith.constant 0 : index
    %get3A_21 = vector.load %arg6[%get3A_19, %get3A_20] : memref<22x36xf32, #tpu.memory_space<vmem>>, vector<22x36xf32>
    %dot_general3A_22 = arith.constant dense<0.000000e+00> : vector<512x36xf32>
    %dot_general3A_23 = tpu.matmul %get3A_18, %get3A_21, %dot_general3A_22 {dimension_numbers = #tpu.dot_dimension_numbers<[1], [0], [0], [1], [0, 0, 1, 1], [], []>, transpose_lhs_hint = false} : vector<512x22xf32>, vector<22x36xf32>, vector<512x36xf32> -> vector<512x36xf32>
    %add3A = arith.addf %dot_general3A_15, %dot_general3A_23 : vector<512x36xf32>
    %get3A_24 = arith.constant 0 : index
    %get3A_25 = arith.constant 0 : index
    %get3A_26 = vector.load %arg3[%get3A_24, %get3A_25] : memref<512x22xf32, #tpu.memory_space<vmem>>, vector<512x22xf32>
    %get3A_27 = arith.constant 0 : index
    %get3A_28 = arith.constant 0 : index
    %get3A_29 = vector.load %arg7[%get3A_27, %get3A_28] : memref<22x36xf32, #tpu.memory_space<vmem>>, vector<22x36xf32>
    %dot_general3A_30 = arith.constant dense<0.000000e+00> : vector<512x36xf32>
    %dot_general3A_31 = tpu.matmul %get3A_26, %get3A_29, %dot_general3A_30 {dimension_numbers = #tpu.dot_dimension_numbers<[1], [0], [0], [1], [0, 0, 1, 1], [], []>, transpose_lhs_hint = false} : vector<512x22xf32>, vector<22x36xf32>, vector<512x36xf32> -> vector<512x36xf32>
    %add3A_32 = arith.addf %add3A, %dot_general3A_31 : vector<512x36xf32>
    %get3A_33 = arith.constant 0 : index
    %get3A_34 = arith.constant 0 : index
    %get3A_35 = vector.load %arg8[%get3A_33, %get3A_34] : memref<1x36xf32, #tpu.memory_space<vmem>>, vector<1x36xf32>
    %add3A_36 = vector.broadcast %get3A_35 : vector<1x36xf32> to vector<512x36xf32>
    %add3A_37 = arith.addf %add3A_32, %add3A_36 : vector<512x36xf32>
    %max3A = arith.constant 0.000000e+00 : f32
    %max3A_38 = vector.broadcast %max3A : f32 to vector<512x36xf32>
    %max3A_39 = arith.maximumf %add3A_37, %max3A_38 : vector<512x36xf32>
    %get3A_40 = arith.constant 0 : index
    %get3A_41 = arith.constant 0 : index
    %get3A_42 = vector.load %arg9[%get3A_40, %get3A_41] : memref<36x20xf32, #tpu.memory_space<vmem>>, vector<36x20xf32>
    %dot_general3A_43 = arith.constant dense<0.000000e+00> : vector<512x20xf32>
    %dot_general3A_44 = tpu.matmul %max3A_39, %get3A_42, %dot_general3A_43 {dimension_numbers = #tpu.dot_dimension_numbers<[1], [0], [0], [1], [0, 0, 1, 1], [], []>, transpose_lhs_hint = false} : vector<512x36xf32>, vector<36x20xf32>, vector<512x20xf32> -> vector<512x20xf32>
    %get3A_45 = arith.constant 0 : index
    %get3A_46 = arith.constant 0 : index
    %get3A_47 = vector.load %arg10[%get3A_45, %get3A_46] : memref<1x20xf32, #tpu.memory_space<vmem>>, vector<1x20xf32>
    %add3A_48 = vector.broadcast %get3A_47 : vector<1x20xf32> to vector<512x20xf32>
    %add3A_49 = arith.addf %dot_general3A_44, %add3A_48 : vector<512x20xf32>
    %max3A_50 = arith.constant 0.000000e+00 : f32
    %max3A_51 = vector.broadcast %max3A_50 : f32 to vector<512x20xf32>
    %max3A_52 = arith.maximumf %add3A_49, %max3A_51 : vector<512x20xf32>
    %get3A_53 = arith.constant 0 : index
    %get3A_54 = arith.constant 0 : index
    %get3A_55 = vector.load %arg11[%get3A_53, %get3A_54] : memref<20x12xf32, #tpu.memory_space<vmem>>, vector<20x12xf32>
    %dot_general3A_56 = arith.constant dense<0.000000e+00> : vector<512x12xf32>
    %dot_general3A_57 = tpu.matmul %max3A_52, %get3A_55, %dot_general3A_56 {dimension_numbers = #tpu.dot_dimension_numbers<[1], [0], [0], [1], [0, 0, 1, 1], [], []>, transpose_lhs_hint = false} : vector<512x20xf32>, vector<20x12xf32>, vector<512x12xf32> -> vector<512x12xf32>
    %get3A_58 = arith.constant 0 : index
    %get3A_59 = arith.constant 0 : index
    %get3A_60 = vector.load %arg12[%get3A_58, %get3A_59] : memref<1x12xf32, #tpu.memory_space<vmem>>, vector<1x12xf32>
    %add3A_61 = vector.broadcast %get3A_60 : vector<1x12xf32> to vector<512x12xf32>
    %add3A_62 = arith.addf %dot_general3A_57, %add3A_61 : vector<512x12xf32>
    %max3A_63 = arith.constant 0.000000e+00 : f32
    %max3A_64 = vector.broadcast %max3A_63 : f32 to vector<512x12xf32>
    %max3A_65 = arith.maximumf %add3A_62, %max3A_64 : vector<512x12xf32>
    %get3A_66 = arith.constant 0 : index
    %get3A_67 = arith.constant 0 : index
    %get3A_68 = vector.load %arg13[%get3A_66, %get3A_67] : memref<12x1xf32, #tpu.memory_space<vmem>>, vector<12x1xf32>
    %dot_general3A_69 = arith.constant dense<0.000000e+00> : vector<512x1xf32>
    %dot_general3A_70 = tpu.matmul %max3A_65, %get3A_68, %dot_general3A_69 {dimension_numbers = #tpu.dot_dimension_numbers<[1], [0], [0], [1], [0, 0, 1, 1], [], []>, transpose_lhs_hint = false} : vector<512x12xf32>, vector<12x1xf32>, vector<512x1xf32> -> vector<512x1xf32>
    %get3A_71 = arith.constant 0 : index
    %get3A_72 = arith.constant 0 : index
    %get3A_73 = vector.load %arg14[%get3A_71, %get3A_72] : memref<1x1xf32, #tpu.memory_space<vmem>>, vector<1x1xf32>
    %add3A_74 = vector.broadcast %get3A_73 : vector<1x1xf32> to vector<512x1xf32>
    %add3A_75 = arith.addf %dot_general3A_70, %add3A_74 : vector<512x1xf32>
    %logistic3A = arith.negf %add3A_75 : vector<512x1xf32>
    %logistic3A_76 = math.exp %logistic3A : vector<512x1xf32>
    %logistic3A_77 = arith.constant 1.000000e+00 : f32
    %logistic3A_78 = vector.broadcast %logistic3A_77 : f32 to vector<512x1xf32>
    %logistic3A_79 = arith.addf %logistic3A_78, %logistic3A_76 : vector<512x1xf32>
    %logistic3A_80 = arith.divf %logistic3A_78, %logistic3A_79 : vector<512x1xf32>
    %swap3A = arith.constant 0 : index
    %swap3A_81 = arith.constant 0 : index
    %swap3A_82 = vector.load %arg15[%swap3A, %swap3A_81] : memref<512x1xf32, #tpu.memory_space<vmem>>, vector<512x1xf32>
    tpu.vector_store %arg15[%swap3A, %swap3A_81], %logistic3A_80 {strides = array<i32>} : memref<512x1xf32, #tpu.memory_space<vmem>>, vector<512x1xf32>,
    return
  }
  func.func @transform_0(%arg0: i32) -> (i32, i32) {
    %c0_i32 = arith.constant 0 : i32
    %c0_i32_0 = arith.constant 0 : i32
    return %arg0, %c0_i32 : i32, i32
  }
  func.func @transform_1(%arg0: i32) -> (i32, i32) {
    %c0_i32 = arith.constant 0 : i32
    %c0_i32_0 = arith.constant 0 : i32
    return %arg0, %c0_i32 : i32, i32
  }
  func.func @transform_2(%arg0: i32) -> (i32, i32) {
    %add3A = arith.constant 32 : i32
    %add3A_0 = arith.addi %arg0, %add3A : i32
    %c0_i32 = arith.constant 0 : i32
    %c0_i32_1 = arith.constant 0 : i32
    return %add3A_0, %c0_i32 : i32, i32
  }
  func.func @transform_3(%arg0: i32) -> (i32, i32) {
    %c0_i32 = arith.constant 0 : i32
    %c0_i32_0 = arith.constant 0 : i32
    %c0_i32_1 = arith.constant 0 : i32
    return %c0_i32, %c0_i32_0 : i32, i32
  }
  func.func @transform_4(%arg0: i32) -> (i32, i32) {
    %c0_i32 = arith.constant 0 : i32
    %c0_i32_0 = arith.constant 0 : i32
    %c0_i32_1 = arith.constant 0 : i32
    return %c0_i32, %c0_i32_0 : i32, i32
  }
  func.func @transform_5(%arg0: i32) -> (i32, i32) {
    %c0_i32 = arith.constant 0 : i32
    %c0_i32_0 = arith.constant 0 : i32
    %c0_i32_1 = arith.constant 0 : i32
    return %c0_i32, %c0_i32_0 : i32, i32
  }
  func.func @transform_6(%arg0: i32) -> (i32, i32) {
    %c0_i32 = arith.constant 0 : i32
    %c0_i32_0 = arith.constant 0 : i32
    %c0_i32_1 = arith.constant 0 : i32
    return %c0_i32, %c0_i32_0 : i32, i32
  }
  func.func @transform_7(%arg0: i32) -> (i32, i32) {
    %c0_i32 = arith.constant 0 : i32
    %c0_i32_0 = arith.constant 0 : i32
    %c0_i32_1 = arith.constant 0 : i32
    return %c0_i32, %c0_i32_0 : i32, i32
  }
  func.func @transform_8(%arg0: i32) -> (i32, i32) {
    %c0_i32 = arith.constant 0 : i32
    %c0_i32_0 = arith.constant 0 : i32
    %c0_i32_1 = arith.constant 0 : i32
    return %c0_i32, %c0_i32_0 : i32, i32
  }
  func.func @transform_9(%arg0: i32) -> (i32, i32) {
    %c0_i32 = arith.constant 0 : i32
    %c0_i32_0 = arith.constant 0 : i32
    %c0_i32_1 = arith.constant 0 : i32
    return %c0_i32, %c0_i32_0 : i32, i32
  }
  func.func @transform_10(%arg0: i32) -> (i32, i32) {
    %c0_i32 = arith.constant 0 : i32
    %c0_i32_0 = arith.constant 0 : i32
    %c0_i32_1 = arith.constant 0 : i32
    return %c0_i32, %c0_i32_0 : i32, i32
  }
  func.func @transform_11(%arg0: i32) -> (i32, i32) {
    %c0_i32 = arith.constant 0 : i32
    %c0_i32_0 = arith.constant 0 : i32
    %c0_i32_1 = arith.constant 0 : i32
    return %c0_i32, %c0_i32_0 : i32, i32
  }
  func.func @transform_12(%arg0: i32) -> (i32, i32) {
    %c0_i32 = arith.constant 0 : i32
    %c0_i32_0 = arith.constant 0 : i32
    %c0_i32_1 = arith.constant 0 : i32
    return %c0_i32, %c0_i32_0 : i32, i32
  }
  func.func @transform_13(%arg0: i32) -> (i32, i32) {
    %c0_i32 = arith.constant 0 : i32
    %c0_i32_0 = arith.constant 0 : i32
    %c0_i32_1 = arith.constant 0 : i32
    return %c0_i32, %c0_i32_0 : i32, i32
  }
  func.func @transform_14(%arg0: i32) -> (i32, i32) {
    %c0_i32 = arith.constant 0 : i32
    %c0_i32_0 = arith.constant 0 : i32
    return %arg0, %c0_i32 : i32, i32
  }
}

</mosaic_0001>

<sc_bundles>
// kernel: kernel.4.cloned.1.call-start
scs
__scs_entry_jumppad:
0x0: {  	(pc) =	sbr.rel $0x88, $3  }
0x1: {  	(tag) =	ssettag $0x0;
	lr =	simm.s32 $0x1  }
0x2: {  	[smem:$0x3F95] =	sst lr;
	_ =	strace $0xD0000000  }
0x3: {  	_ = 	snop  }
0x4: {  	_ = 	snop  }
0x5: {  	_ = 	snop  }
0x6: {  	_ = 	snop  }
0x7: {  	_ = 	snop  }
__scs_overlays_trampoline_lowered:
0x8: {  	[smem:$0x3FA4] =	sst s0  }
0x9: {  	[smem:$0x3FA5] =	sst s1  }
0xa: {  	[smem:$0x3FA6] =	sst s2  }
0xb: {  	[smem:$0x3FA7] =	sst s3  }
0xc: {  	[smem:$0x3FA8] =	sst s4  }
0xd: {  	[smem:$0x3FA9] =	sst s5  }
0xe: {  	[smem:$0x3FAA] =	sst s6  }
0xf: {  	[smem:$0x3FAB] =	sst s7  }
0x10: {  	[smem:$0x3FAC] =	sst s8  }
0x11: {  	[smem:$0x3FAD] =	sst s9;
	s0 =	simm.s32 @!p0 $0x0  }
0x12: {  	s1 =	sld [smem:$0x3F93];
	s0 =	simm.s32 @p0 $0x1  }
0x13: {  	[smem:$0x3FAE] =	sst s0;
	s0 =	simm.s32 @!p1 $0x0  }
0x14: {  	s2 =	sld [smem:$0x3F92];
	s0 =	simm.s32 @p1 $0x1  }
0x15: {  	[smem:$0x3FAF] =	sst s0;
	s0 =	simm.s32 @!p2 $0x0  }
0x16: {  	s3 =	sld [smem:$0x3FDB];
	s0 =	simm.s32 @p2 $0x1  }
0x17: {  	s4 =	simm.s32 $0x1BF5;
	[smem:$0x3FB1] =	sst s0  }
0x18: {  	s0 =	sld [smem:$0x3F94];
	_ =	swait.ge [sflag:s4], $0x0  }
0x19: {  	s7 =	sld [smem:$0x3F95]  }
0x1a: {  	s8 =	sadd.s32 $0xFFFFE003, lr  }
0x1b: {  	s9 =	sadd.s32 $0xFFFFFEF7, lr;
	s5 =	simm.s32 $0xFFFFFFFF;
	p2 =	slt.u32 s8, $0xFFFFF086  }
0x1c: {  	p1 =	slt.u32 s9, $0xF7A;
	s5 =	simm.s32 @!p2 $0x0  }
0x1d: {  	s5 =	simm.s32 @p1 $0x1;
	p0 =	seq.s32 s7, s2  }
0x1e: {  	s7 =	smul.u32 @!p0 $0xF7A, s2;
	p2 =	seq.s32 @!p0 s5, $0x0  }
0x1f: {  	s9 =	smul.u32 $0xF7A, s1;
	s8 =	simm.s32 @!p0 $0x1BF5;
	p2 =	por !p2, p0  }
0x20: {  	[sflag:s8] =	ssyncset.s32 @!p0 $0xFFFFF086;
	s6 =	sadd.s32 @!p0 s3, s7;
	s7 =	simm.s32 @!p0 $0x108  }
0x21: {  	s3 =	sadd.s32 s3, s9;
	s6 =	sadd.s32 @!p0 $0x88, s6;
	s7 =	simm.s32 @p2 $0x1082  }
0x22: {  	[simem:s7], [sflag:s8] =	dma.local @!p0 [hbm:s6], $0xF7A  }
0x23: {  	s9 =	sor.u32 $0xD0000000, s2;
	s6 =	simm.s32 $0x108;
	_ =	swait.ge @!p0 [sflag:s8], $0x0  }
0x24: {  	s3 =	sadd.s32 $0x88, s3;
	s6 =	simm.s32 @!p1 $0x1082;
	[sflag:s4] =	ssyncset.s32 $0xFFFFF086  }
0x25: {  	[simem:s6], [sflag:s4] =	dma.local [hbm:s3], $0xF7A  }
0x26: {  	[smem:$0x3F95] =	sst s1;
	(tag) =	ssettag s2;
	_ =	strace s9  }
0x27: {  	s1 =	sld [smem:$0x3FA5]  }
0x28: {  	s2 =	sld [smem:$0x3FA6]  }
0x29: {  	s4 =	sld [smem:$0x3FA8]  }
0x2a: {  	p0 =	seq.s32 s5, $0x0;
	s5 =	sld [smem:$0x3FA9]  }
0x2b: {  	s6 =	sld [smem:$0x3FAA]  }
0x2c: {  	s7 =	sld [smem:$0x3FAB]  }
0x2d: {  	s3 =	simm.s32 $0x108;
	s8 =	sld [smem:$0x3FAC]  }
0x2e: {  	s3 =	simm.s32 @!p0 $0x1082;
	s9 =	sld [smem:$0x3FAD]  }
0x2f: {  	lr =	sadd.s32 s0, s3;
	s0 =	sld [smem:$0x3FA4]  }
0x30: {  	s3 =	sld [smem:$0x3FA7]  }
0x31: {  	[smem:$0x3FB0] =	sst s10  }
0x32: {  	s10 =	sld [smem:$0x3FAE];
	_ =	sdelay $0x3  }
0x33: {  	p0 =	seq.s32 s10, $0x1;
	s10 =	sld [smem:$0x3FB0];
	_ =	sdelay $0x3  }
0x34: {  	[smem:$0x3FB0] =	sst s10  }
0x35: {  	s10 =	sld [smem:$0x3FAF];
	_ =	sdelay $0x3  }
0x36: {  	p1 =	seq.s32 s10, $0x1;
	s10 =	sld [smem:$0x3FB0];
	_ =	sdelay $0x3  }
0x37: {  	[smem:$0x3FB0] =	sst s10  }
0x38: {  	s10 =	sld [smem:$0x3FB1]  }
0x39: {  	_ = 	snop;
	(pc) =	sbr.ind lr, $3  }
0x3a: {  	_ = 	snop  }
0x3b: {  	_ = 	snop  }
0x3c: {  	p2 =	seq.s32 s10, $0x1;
	s10 =	sld [smem:$0x3FB0]  }
0x3d: {  	_ =	shalt  }
0x3e: {  	_ =	shalt  }
0x3f: {  	_ =	shalt  }
0x40: {  	_ =	shalt  }
0x41: {  	_ =	shalt  }
0x42: {  	_ =	shalt  }
0x43: {  	_ =	shalt  }
0x44: {  	_ =	shalt  }
0x45: {  	_ =	shalt  }
0x46: {  	_ =	shalt  }
0x47: {  	_ =	shalt  }
0x48: {  	_ =	shalt  }
0x49: {  	_ =	shalt  }
0x4a: {  	_ =	shalt  }
0x4b: {  	_ =	shalt  }
0x4c: {  	_ =	shalt  }
0x4d: {  	_ =	shalt  }
0x4e: {  	_ =	shalt  }
0x4f: {  	_ =	shalt  }
0x50: {  	_ =	shalt  }
0x51: {  	_ =	shalt  }
0x52: {  	_ =	shalt  }
0x53: {  	_ =	shalt  }
0x54: {  	_ =	shalt  }
0x55: {  	_ =	shalt  }
0x56: {  	_ =	shalt  }
0x57: {  	_ =	shalt  }
0x58: {  	_ =	shalt  }
0x59: {  	_ =	shalt  }
0x5a: {  	_ =	shalt  }
0x5b: {  	_ =	shalt  }
0x5c: {  	_ =	shalt  }
0x5d: {  	_ =	shalt  }
0x5e: {  	_ =	shalt  }
0x5f: {  	_ =	shalt  }
0x60: {  	_ =	shalt  }
0x61: {  	_ =	shalt  }
0x62: {  	_ =	shalt  }
0x63: {  	_ =	shalt  }
0x64: {  	_ =	shalt  }
0x65: {  	_ =	shalt  }
0x66: {  	_ =	shalt  }
0x67: {  	_ =	shalt  }
0x68: {  	_ =	shalt  }
0x69: {  	_ =	shalt  }
0x6a: {  	_ =	shalt  }
0x6b: {  	_ =	shalt  }
0x6c: {  	_ =	shalt  }
0x6d: {  	_ =	shalt  }
0x6e: {  	_ =	shalt  }
0x6f: {  	_ =	shalt  }
0x70: {  	_ =	shalt  }
0x71: {  	_ =	shalt  }
0x72: {  	_ =	shalt  }
0x73: {  	_ =	shalt  }
0x74: {  	_ =	shalt  }
0x75: {  	_ =	shalt  }
0x76: {  	_ =	shalt  }
0x77: {  	_ =	shalt  }
0x78: {  	_ =	shalt  }
0x79: {  	_ =	shalt  }
0x7a: {  	_ =	shalt  }
0x7b: {  	_ =	shalt  }
0x7c: {  	_ =	shalt  }
0x7d: {  	_ =	shalt  }
0x7e: {  	_ =	shalt  }
0x7f: {  	_ =	shalt  }
0x80: {  	_ =	shalt  }
0x81: {  	_ =	shalt  }
0x82: {  	_ =	shalt  }
0x83: {  	_ =	shalt  }
0x84: {  	_ =	shalt  }
0x85: {  	_ =	shalt  }
0x86: {  	_ =	shalt  }
0x87: {  	_ =	shalt  }
.Lfunc_end0:
.L_simem_size_0:
called_computation_lowered:
.L_overlay_start_0:
0x88: {  	s2 =	sld [smem:$0x3FD9]  }
0x89: {  	s3 =	sld [smem:$0x3FFE];
	_ =	sdelay $0x1  }
0x8a: {  	s1 =	srdreg.scid  }
0x8b: {  	s0 =	sand.u32 $0x1, s1  }
0x8c: {  	s16 =	sshll.u32 s0, $0xA;
	s2 =	sadd.s32 s3, s2  }
0x8d: {  	s2 =	sadd.s32 s2, s16  }
0x8e: {  	[smem:$0x3FBC] =	sst s2  }
0x8f: {  	_ = 	snop  }
0x90: {  	(tm) =	ssettm $0x1  }
0x91: {  	s17 =	sld [smem:$0x3FFB];
	_ =	sdelay $0x3  }
0x92: {  	_ =	strace s17  }
0x93: {  	s2 =	sld [smem:$0x3FFC];
	_ =	sdelay $0x3  }
0x94: {  	_ =	strace s2  }
0x95: {  	s2 =	sld [smem:$0x3FFD];
	_ =	sdelay $0x3  }
0x96: {  	_ =	strace s2  }
0x97: {  	_ =	strace $0x8FFFFFFF  }
0x98: {  	s18 =	sld [smem:$0x3FDB];
	_ =	sdelay $0x1  }
0x99: {  	s19 =	simm.s32 $_scs_section_size  }
0x9a: {  	s4 =	simm.s32 $_size__tile_overlayer_lowered;
	s5 =	simm.s32 $_tile_overlayer_lowered  }
0x9b: {  	s22 =	simm.s32 $0x1BFF;
	s21 =	sshll.u32 s5, $0x1;
	s2 =	sadd.s32 s19, s18  }
0x9c: {  	s6 =	simm.s32 $0x0;
	s20 =	sshll.u32 s4, $0x1;
	s4 =	sadd.s32 s21, s2  }
0x9d: {  	[timem:s6], [sflag:s22] =	dma.local [hbm:s4], s20  }
0x9e: {  	_ =	swait.ge [sflag:s22], s20  }
0x9f: {  	s3 =	ssub.s32 $0x0, s20;
	[sflag:s22] =	ssyncset.done $0x0  }
0xa0: {  	[sflag:s22] =	ssyncadd.s32 s3;
	_ =	sdelay $0x1  }
0xa1: {  	s23 =	simm.s32 $0x1B8B  }
0xa2: {  	_ =	swait.ge [sflag:s23], $0x1  }
0xa3: {  	[sflag:s23] =	ssyncset.done $0x0  }
0xa4: {  	s25 =	simm.s32 $0x1B8E;
	s24 =	sld [smem:$0x3FFE];
	[sflag:s23] =	ssyncadd.s32 $0xFFFFFFFF  }
0xa5: {  	s26 =	simm.s32 $execute0_lowered;
	[smem:$0x3FD2] =	sst s25  }
0xa6: {  	s4 =	sshll.u32 s26, $0x1;
	_ =	strace $0x80000046;
	[dreg:$0x1] =	wrdreg $0xFFFFFFFF  }
0xa7: {  	s28 =	simm.s32 $_size_execute0_lowered;
	s2 =	sadd.s32 s2, s4;
	[dreg:$0x0] =	wrdreg $0x0  }
0xa8: {  	s4 =	sshll.u32 s28, $0x1;
	[dreg:$0x2] =	wrdreg s2  }
0xa9: {  	[dreg:$0x3] =	wrdreg s4  }
0xaa: {  	[dreg:$0x4] =	wrdreg $0xC0  }
0xab: {  	_ =	task [dreg:s6], $0x5FFFF  }
0xac: {  	[dreg:$0x1] =	wrdreg $0xFFFFFFFF  }
0xad: {  	[dreg:$0x0] =	wrdreg $0x60  }
0xae: {  	[dreg:$0x2] =	wrdreg s24  }
0xaf: {  	[dreg:$0x3] =	wrdreg $0x9  }
0xb0: {  	_ =	task.clear_ibuf [dreg:s6], $0x4FFFF;
	_ =	strace $0x90000046  }
0xb1: {  	s29 =	simm.s32 $0x9;
	_ =	strace $0x80000048  }
0xb2: {  	_ =	swait.ge [sflag:s29], $0x1  }
0xb3: {  	[sflag:s29] =	ssyncadd.s32 $0xFFFFFFFF  }
0xb4: {  	_ =	strace $0x90000048  }
0xb5: {  	_ =	sfence  }
0xb6: {  	s30 =	sld [smem:$0x0];
	_ =	sdelay $0x2  }
0xb7: {  	s31 =	sshll.u32 s1, $0xD;
	s1 =	sshrl.u32 s1, $0x2  }
0xb8: {  	s3 =	sand.u32 $0x4000, s31;
	s1 =	sadd.s32 s1, s30  }
0xb9: {  	s0 =	sor.u32 s3, s0;
	s1 =	sshll.u32 s1, $0x11  }
0xba: {  	s0 =	sor.u32 s1, s0  }
0xbb: {  	s0 =	sadd.s32 $0x8F2B, s0  }
0xbc: {  	[sflag:s0] =	ssyncadd.remote.s32 $0x1  }
0xbd: {  	_ =	sfence.sel $0xFFFF  }
0xbe: {  	[dreg:$0x0] =	wrdreg $0xFFFFFFFF;
	(pc) =	sbr.abs _section_cstart, $3  }
0xbf: {  	[dreg:$0x1] =	wrdreg $0xFFFFFFFF  }
0xc0: {  	_ =	task.clear_ibuf [dreg:s6], $0x2FFFF;
	_ =	strace $0x9FFFFFFF  }
0xc1: {  	(tm) =	ssettm $0x7FFFFFFF  }
tec
execute0_lowered:
.L_overlay_start_1:
0x0: {  	(tag) =	ssettag $0x1  }
0x1: {  	s4 =	rddreg [dreg:$0x0]  }
0x2: {  	s0 =	stileid.u32;
	s3 =	srdreg.scid  }
0x3: {  	s2 =	simm.s32 $0x0;
	s9 =	simm.s32 $0x400;
	s10 =	simm.s32 $0x2  }
0x4: {  	s11 =	simm.s32 $0x1;
	s12 =	simm.s32 $0x0;
	s5 =	sand.u32 $0x1, s3  }
0x5: {  	s30 =	sshll.u32 s0, $0x1;
	[smem:$0x7FF] =	sst s2;
	s6 =	sshll.u32 s0, $0x8  }
0x6: {  	s3 =	sadd.s32 $0x2000, s4;
	s7 =	sor.u32 s5, s30;
	_ =	strace $0x80000047  }
0x7: {  	s6 =	sand.u32 $0xC00, s6;
	s5 =	ssub.s32 $0x2, s5;
	s8 =	sshll.u32 s7, $0x4  }
0x8: {  	s6 =	sadd.s32 s6, s4;
	s7 =	sshll.u32 s7, $0xE;
	s8 =	sand.u32 $0x70, s8  }
0x9: {  	s31 =	sshrl.u32 s5, $0x1;
	s7 =	sadd.s32 s7, s4;
	s6 =	sadd.s32 s8, s6  }
0xa: {  	s8 =	ssub.s32 s5, s31;
	s5 =	sadd.s32 $0xF45400, s7;
	s4 =	sadd.s32 $0xF44400, s6  }
0xb: {  	s6 =	sadd.s32 $0xF47400, s7;
	s7 =	smax.u32 s8, $0x1;
	s8 =	simm.s32 $0x80  }
.LBB2_1:
0xc: {  	[tilespmem:s2], [sflag:$0x2] =	stream.strided.gather [hbm4b:s4+s8], $0x400, s9, s8, $0x38;
	[tilespmem:$0x10400] =	vst v63  }
0xd: {  	_ =	swait.ge [sflag:s10], $0x400  }
0xe: {  	[sflag:s10] =	ssyncset.done $0x0  }
0xf: {  	[sflag:s10] =	ssyncadd.s32 $0xFFFFFC00  }
0x10: {  	v0 =	vld [tilespmem:s2+$0x0];
	_ =	sdelay $0x4  }
0x11: {  	v0 =	vshll.u32 v0, $0x4  }
0x12: {  	(v2sf) =	vpush v0, $0x0  }
0x13: {  	(v2sf) =	vpush v0, $0x1  }
0x14: {  	(v2sf) =	vpush v0, $0x2;
	_ =	sdelay $0x1  }
0x15: {  	(v2sf) =	vpush v0, $0x4;
	_ =	sdelay $0x1  }
0x16: {  	(v2sf) =	vpush v0, $0x3  }
0x17: {  	(v2sf) =	vpush v0, $0x5  }
0x18: {  	s14 =	simm.s32 $0x2000;
	s13 =	simm.s32 $0x0;
	s15 =	simm.s32 $0x0;
	(v2sf) =	vpush v0, $0x6  }
.LBB2_2:
0x19: {  	p0 =	sne.s32 s14, $0x3E000  }
0x1a: {  	s25 =	sadd.s32 $0x480, s13;
	s19 =	sadd.s32 $0x980, s13;
	s16 =	smov.u32 s14  }
0x1b: {  	s14 =	sadd.s32 $0x2000, s14;
	s22 =	sadd.s32 $0x780, s13;
	s17 =	sadd.s32 $0xA00, s13;
	(v2sf) =	vpush v0, $0x7  }
0x1c: {  	s24 =	sadd.s32 $0x680, s13;
	s21 =	sadd.s32 $0x800, s13;
	s18 =	sadd.s32 $0xA80, s13  }
0x1d: {  	s26 =	sadd.s32 $0x400, s13;
	s28 =	sadd.s32 $0x600, s13;
	(v2sf) =	vpush v0, $0x8  }
0x1e: {  	s29 =	sadd.s32 $0x700, s13;
	s15 =	sadd.s32 $0x10, s15  }
0x1f: {  	s30 =	sadd.s32 $0x500, s13;
	s20 =	sadd.s32 $0x900, s13;
	s23 =	spop (v2sf);
	(v2sf) =	vpush v0, $0x9  }
0x20: {  	s31 =	sand.u32 $0x1FFFFFF0, s23;
	s23 =	sadd.s32 $0x880, s13;
	s0 =	spop (v2sf)  }
0x21: {  	s31 =	sadd.s32 s3, s31;
	s0 =	sand.u32 $0x1FFFFFF0, s0;
	s1 =	spop (v2sf);
	(v2sf) =	vpush v0, $0xA  }
0x22: {  	[tilespmem:s26], [sflag:$0x1] =	stream.linear.gather [hbm4b:s31+s2], $0x80, $0x38;
	[tilespmem:$0x10400] =	vst v63  }
0x23: {  	s0 =	sadd.s32 s3, s0;
	s26 =	sadd.s32 $0x580, s13;
	s31 =	spop (v2sf);
	(v2sf) =	vpush v0, $0xB  }
0x24: {  	[tilespmem:s25], [sflag:$0x1] =	stream.linear.gather [hbm4b:s0+s2], $0x80, $0x38;
	[tilespmem:$0x10400] =	vst v63  }
0x25: {  	s0 =	sand.u32 $0x1FFFFFF0, s1;
	s1 =	sand.u32 $0x1FFFFFF0, s31;
	s25 =	spop (v2sf);
	(v2sf) =	vpush v0, $0xC  }
0x26: {  	s0 =	sadd.s32 s3, s0;
	s25 =	sand.u32 $0x1FFFFFF0, s25;
	s31 =	spop (v2sf)  }
0x27: {  	[tilespmem:s30], [sflag:$0x1] =	stream.linear.gather [hbm4b:s0+s2], $0x80, $0x38;
	(v2sf) =	vpush v0, $0xD;
	[tilespmem:$0x10400] =	vst v63  }
0x28: {  	s0 =	sadd.s32 s3, s25;
	s25 =	sand.u32 $0x1FFFFFF0, s31;
	s30 =	spop (v2sf)  }
0x29: {  	[tilespmem:s26], [sflag:$0x1] =	stream.linear.gather [hbm4b:s0+s2], $0x80, $0x38;
	(v2sf) =	vpush v0, $0xE;
	[tilespmem:$0x10400] =	vst v63  }
0x2a: {  	s0 =	sadd.s32 s3, s1;
	s1 =	sand.u32 $0x1FFFFFF0, s30;
	s26 =	spop (v2sf)  }
0x2b: {  	[tilespmem:s28], [sflag:$0x1] =	stream.linear.gather [hbm4b:s0+s2], $0x80, $0x38;
	(v2sf) =	vpush v0, $0xF;
	[tilespmem:$0x10400] =	vst v63  }
0x2c: {  	s0 =	sadd.s32 s3, s25;
	s25 =	sand.u32 $0x1FFFFFF0, s26;
	s26 =	spop (v2sf)  }
0x2d: {  	[tilespmem:s24], [sflag:$0x1] =	stream.linear.gather [hbm4b:s0+s2], $0x80, $0x38;
	[tilespmem:$0x10400] =	vst v63  }
0x2e: {  	s0 =	sadd.s32 s3, s1;
	s1 =	sand.u32 $0x1FFFFFF0, s26;
	s24 =	spop (v2sf)  }
0x2f: {  	[tilespmem:s29], [sflag:$0x1] =	stream.linear.gather [hbm4b:s0+s2], $0x80, $0x38;
	[tilespmem:$0x10400] =	vst v63  }
0x30: {  	s0 =	sadd.s32 s3, s25;
	s24 =	sand.u32 $0x1FFFFFF0, s24;
	s25 =	spop (v2sf)  }
0x31: {  	[tilespmem:s22], [sflag:$0x1] =	stream.linear.gather [hbm4b:s0+s2], $0x80, $0x38;
	[tilespmem:$0x10400] =	vst v63  }
0x32: {  	s0 =	sadd.s32 s3, s1;
	s1 =	sand.u32 $0x1FFFFFF0, s25;
	s22 =	spop (v2sf)  }
0x33: {  	[tilespmem:s21], [sflag:$0x1] =	stream.linear.gather [hbm4b:s0+s2], $0x80, $0x38;
	[tilespmem:$0x10400] =	vst v63  }
0x34: {  	s0 =	sadd.s32 s3, s24;
	s21 =	sand.u32 $0x1FFFFFF0, s22;
	s22 =	spop (v2sf)  }
0x35: {  	[tilespmem:s23], [sflag:$0x1] =	stream.linear.gather [hbm4b:s0+s2], $0x80, $0x38;
	[tilespmem:$0x10400] =	vst v63  }
0x36: {  	s0 =	sadd.s32 s3, s1;
	s1 =	sand.u32 $0x1FFFFFF0, s22;
	s22 =	spop (v2sf)  }
0x37: {  	[tilespmem:s20], [sflag:$0x1] =	stream.linear.gather [hbm4b:s0+s2], $0x80, $0x38;
	[tilespmem:$0x10400] =	vst v63  }
0x38: {  	s0 =	sadd.s32 s3, s21;
	s20 =	sand.u32 $0x1FFFFFF0, s22;
	s21 =	spop (v2sf)  }
0x39: {  	[tilespmem:s19], [sflag:$0x1] =	stream.linear.gather [hbm4b:s0+s2], $0x80, $0x38;
	[tilespmem:$0x10400] =	vst v63  }
0x3a: {  	s0 =	sadd.s32 s3, s1;
	s1 =	sand.u32 $0x1FFFFFF0, s21;
	s19 =	spop (v2sf)  }
0x3b: {  	[tilespmem:s17], [sflag:$0x1] =	stream.linear.gather [hbm4b:s0+s2], $0x80, $0x38;
	[tilespmem:$0x10400] =	vst v63  }
0x3c: {  	s0 =	sadd.s32 s3, s20;
	s17 =	sand.u32 $0x1FFFFFF0, s19  }
0x3d: {  	[tilespmem:s18], [sflag:$0x1] =	stream.linear.gather [hbm4b:s0+s2], $0x80, $0x38;
	[tilespmem:$0x10400] =	vst v63  }
0x3e: {  	s1 =	sadd.s32 s3, s1;
	s0 =	sadd.s32 $0xB00, s13  }
0x3f: {  	[tilespmem:s0], [sflag:$0x1] =	stream.linear.gather [hbm4b:s1+s2], $0x80, $0x38;
	[tilespmem:$0x10400] =	vst v63  }
0x40: {  	s0 =	sadd.s32 $0xB80, s13;
	s1 =	sadd.s32 s3, s17  }
0x41: {  	[tilespmem:s0], [sflag:$0x1] =	stream.linear.gather [hbm4b:s1+s2], $0x80, $0x38;
	[tilespmem:$0x10400] =	vst v63  }
0x42: {  	v0 =	vld [tilespmem:s15+$0x0];
	_ =	sdelay $0x4  }
0x43: {  	v0 =	vshll.u32 v0, $0x4  }
0x44: {  	(v2sf) =	vpush v0, $0x0  }
0x45: {  	(v2sf) =	vpush v0, $0x1  }
0x46: {  	(v2sf) =	vpush v0, $0x2;
	_ =	sdelay $0x1  }
0x47: {  	(v2sf) =	vpush v0, $0x4  }
.Ltmp0:
0x48: {  	(pc) =	sbr.rel @p0 .LBB2_2-.Ltmp0, $3  }
0x49: {  	(v2sf) =	vpush v0, $0x3  }
0x4a: {  	(v2sf) =	vpush v0, $0x5;
	_ =	sdelay $0x1  }
0x4b: {  	s13 =	sshra.s32 s16, $0x2;
	(v2sf) =	vpush v0, $0x6  }
0x4c: {  	_ =	sdelay $0x1  }
0x4d: {  	s0 =	sadd.s32 $0x480, s13;
	s16 =	sadd.s32 $0x980, s13  }
0x4e: {  	s1 =	sadd.s32 $0x780, s13;
	s14 =	sadd.s32 $0xA00, s13;
	(v2sf) =	vpush v0, $0x7;
	s17 =	sadd.s32 $0x680, s13  }
0x4f: {  	s18 =	sadd.s32 $0x800, s13;
	s15 =	sadd.s32 $0xA80, s13;
	s19 =	sadd.s32 $0x400, s13  }
0x50: {  	s20 =	sadd.s32 $0x600, s13;
	s21 =	sadd.s32 $0x700, s13;
	(v2sf) =	vpush v0, $0x8;
	s22 =	spop (v2sf)  }
0x51: {  	s23 =	sadd.s32 $0x500, s13;
	s22 =	sand.u32 $0x1FFFFFF0, s22;
	s24 =	spop (v2sf)  }
0x52: {  	(v2sf) =	vpush v0, $0x9;
	s22 =	sadd.s32 s3, s22;
	s24 =	sand.u32 $0x1FFFFFF0, s24;
	s25 =	spop (v2sf)  }
0x53: {  	[tilespmem:s19], [sflag:$0x1] =	stream.linear.gather [hbm4b:s22+s2], $0x80, $0x38;
	[tilespmem:$0x10400] =	vst v63  }
0x54: {  	(v2sf) =	vpush v0, $0xA;
	s26 =	sadd.s32 s3, s24;
	s29 =	sand.u32 $0x1FFFFFF0, s25;
	s28 =	spop (v2sf)  }
0x55: {  	[tilespmem:s0], [sflag:$0x1] =	stream.linear.gather [hbm4b:s26+s2], $0x80, $0x38;
	[tilespmem:$0x10400] =	vst v63  }
0x56: {  	s19 =	sadd.s32 $0x900, s13;
	(v2sf) =	vpush v0, $0xB;
	s22 =	sadd.s32 s3, s29;
	s30 =	spop (v2sf)  }
0x57: {  	s0 =	sadd.s32 $0x880, s13;
	s26 =	sadd.s32 $0x580, s13;
	s25 =	sand.u32 $0x1FFFFFF0, s30  }
0x58: {  	(v2sf) =	vpush v0, $0xC;
	[tilespmem:s23], [sflag:$0x1] =	stream.linear.gather [hbm4b:s22+s2], $0x80, $0x38;
	[tilespmem:$0x10400] =	vst v63  }
0x59: {  	s31 =	sand.u32 $0x1FFFFFF0, s28;
	s28 =	spop (v2sf);
	s29 =	sadd.s32 s3, s25  }
0x5a: {  	(v2sf) =	vpush v0, $0xD;
	[tilespmem:s26], [sflag:$0x1] =	stream.linear.gather [hbm4b:s29+s2], $0x80, $0x38;
	[tilespmem:$0x10400] =	vst v63  }
0x5b: {  	s22 =	sadd.s32 s3, s31;
	s23 =	sand.u32 $0x1FFFFFF0, s28;
	s30 =	spop (v2sf)  }
0x5c: {  	(v2sf) =	vpush v0, $0xE;
	[tilespmem:s20], [sflag:$0x1] =	stream.linear.gather [hbm4b:s22+s2], $0x80, $0x38;
	[tilespmem:$0x10400] =	vst v63  }
0x5d: {  	s23 =	sadd.s32 s3, s23;
	s31 =	sand.u32 $0x1FFFFFF0, s30;
	s24 =	spop (v2sf)  }
0x5e: {  	(v2sf) =	vpush v0, $0xF;
	[tilespmem:s17], [sflag:$0x1] =	stream.linear.gather [hbm4b:s23+s2], $0x80, $0x38;
	[tilespmem:$0x10400] =	vst v63  }
0x5f: {  	s25 =	sand.u32 $0x1FFFFFF0, s24;
	s26 =	spop (v2sf);
	s20 =	sadd.s32 s3, s31  }
0x60: {  	[tilespmem:s21], [sflag:$0x1] =	stream.linear.gather [hbm4b:s20+s2], $0x80, $0x38;
	[tilespmem:$0x10400] =	vst v63  }
0x61: {  	s28 =	sand.u32 $0x1FFFFFF0, s26;
	s17 =	sadd.s32 s3, s25;
	s29 =	spop (v2sf)  }
0x62: {  	[tilespmem:s1], [sflag:$0x1] =	stream.linear.gather [hbm4b:s17+s2], $0x80, $0x38;
	[tilespmem:$0x10400] =	vst v63  }
0x63: {  	s20 =	sadd.s32 s3, s28;
	s30 =	sand.u32 $0x1FFFFFF0, s29;
	s31 =	spop (v2sf)  }
0x64: {  	[tilespmem:s18], [sflag:$0x1] =	stream.linear.gather [hbm4b:s20+s2], $0x80, $0x38;
	[tilespmem:$0x10400] =	vst v63  }
0x65: {  	s17 =	sand.u32 $0x1FFFFFF0, s31;
	s1 =	sadd.s32 s3, s30;
	s20 =	spop (v2sf)  }
0x66: {  	[tilespmem:s0], [sflag:$0x1] =	stream.linear.gather [hbm4b:s1+s2], $0x80, $0x38;
	[tilespmem:$0x10400] =	vst v63  }
0x67: {  	s17 =	sadd.s32 s3, s17;
	s21 =	sand.u32 $0x1FFFFFF0, s20;
	s22 =	spop (v2sf)  }
0x68: {  	[tilespmem:s19], [sflag:$0x1] =	stream.linear.gather [hbm4b:s17+s2], $0x80, $0x38;
	[tilespmem:$0x10400] =	vst v63  }
0x69: {  	s0 =	sadd.s32 s3, s21;
	s1 =	sand.u32 $0x1FFFFFF0, s22;
	s23 =	spop (v2sf)  }
0x6a: {  	[tilespmem:s16], [sflag:$0x1] =	stream.linear.gather [hbm4b:s0+s2], $0x80, $0x38;
	[tilespmem:$0x10400] =	vst v63  }
0x6b: {  	s24 =	sand.u32 $0x1FFFFFF0, s23;
	s1 =	sadd.s32 s3, s1;
	s25 =	spop (v2sf)  }
0x6c: {  	[tilespmem:s14], [sflag:$0x1] =	stream.linear.gather [hbm4b:s1+s2], $0x80, $0x38;
	[tilespmem:$0x10400] =	vst v63  }
0x6d: {  	s26 =	sand.u32 $0x1FFFFFF0, s25;
	s28 =	spop (v2sf);
	s0 =	sadd.s32 s3, s24  }
0x6e: {  	[tilespmem:s15], [sflag:$0x1] =	stream.linear.gather [hbm4b:s0+s2], $0x80, $0x38;
	[tilespmem:$0x10400] =	vst v63  }
0x6f: {  	s30 =	sadd.s32 $0xB00, s13;
	s29 =	sand.u32 $0x1FFFFFF0, s28;
	s1 =	sadd.s32 s3, s26  }
0x70: {  	[tilespmem:s30], [sflag:$0x1] =	stream.linear.gather [hbm4b:s1+s2], $0x80, $0x38;
	[tilespmem:$0x10400] =	vst v63  }
0x71: {  	s31 =	sadd.s32 $0xB80, s13;
	s0 =	sadd.s32 s3, s29  }
0x72: {  	[tilespmem:s31], [sflag:$0x1] =	stream.linear.gather [hbm4b:s0+s2], $0x80, $0x38;
	[tilespmem:$0x10400] =	vst v63  }
0x73: {  	_ =	swait.ge [sflag:s11], $0x80  }
0x74: {  	s13 =	simm.s32 $0x1FF;
	[sflag:s11] =	ssyncset.done $0x0  }
.LBB2_4:
0x75: {  	p0 =	sne.s32 s13, $0x1;
	s13 =	sadd.s32 $0xFFFFFFFF, s13;
	[sflag:s11] =	ssyncadd.s32 $0xFFFFFF80  }
.Ltmp1:
0x76: {  	(pc) =	sbr.rel @p0 .LBB2_4-.Ltmp1, $3  }
0x77: {  	_ =	sdelay $0x1  }
0x78: {  	_ =	swait.ge [sflag:s11], $0x80  }
0x79: {  	[sflag:s11] =	ssyncset.done $0x0  }
0x7a: {  	[sflag:s11] =	ssyncadd.s32 $0xFFFFFF80;
	s13 =	simm.s32 $0x0  }
0x7b: {  	[hbm4b:s5+s13] =	stream.linear.scatter [tilespmem:s9], [sflag:$0x2], $0x10000, $0x38;
	[tilespmem:$0x10400] =	vst v63  }
0x7c: {  	_ =	swait.ge [sflag:s10], $0x10000  }
0x7d: {  	[sflag:s10] =	ssyncset.done $0x0  }
0x7e: {  	s0 =	sand.u32 $0x1F0, s13;
	[sflag:s10] =	ssyncadd.s32 $0xFFFF0000  }
0x7f: {  	v0 =	vld [tilespmem:s0+$0x200];
	_ =	sdelay $0x4  }
0x80: {  	v0 =	vshll.u32 v0, $0x4  }
0x81: {  	(v2sf) =	vpush v0, $0x0  }
0x82: {  	(v2sf) =	vpush v0, $0x2  }
0x83: {  	(v2sf) =	vpush v0, $0x1;
	_ =	sdelay $0x1  }
0x84: {  	(v2sf) =	vpush v0, $0x3  }
0x85: {  	(v2sf) =	vpush v0, $0x4;
	_ =	sdelay $0x2  }
0x86: {  	s14 =	simm.s32 $0x2000;
	s15 =	simm.s32 $0x10  }
.LBB2_6:
0x87: {  	p0 =	sne.s32 s14, $0x3E000;
	(v2sf) =	vpush v0, $0x5;
	s0 =	smov.u32 s14;
	s14 =	sadd.s32 $0x2000, s14  }
0x88: {  	s16 =	sshra.s32 s13, $0x2;
	s13 =	smov.u32 s0  }
0x89: {  	s0 =	sadd.s32 $0x480, s16;
	(v2sf) =	vpush v0, $0x6  }
0x8a: {  	s1 =	sadd.s32 $0x400, s16  }
0x8b: {  	s19 =	sadd.s32 $0x980, s16;
	s18 =	sadd.s32 $0xA00, s16;
	s17 =	sadd.s32 $0xA80, s16;
	(v2sf) =	vpush v0, $0x7  }
0x8c: {  	s22 =	sadd.s32 $0x800, s16;
	s21 =	sadd.s32 $0x880, s16;
	s20 =	sadd.s32 $0x900, s16  }
0x8d: {  	s24 =	sadd.s32 $0x700, s16;
	s23 =	sadd.s32 $0x780, s16;
	s25 =	spop (v2sf);
	(v2sf) =	vpush v0, $0x8  }
0x8e: {  	s26 =	sadd.s32 $0x500, s16;
	s25 =	sand.u32 $0x1FFFFFF0, s25;
	s28 =	spop (v2sf)  }
0x8f: {  	s29 =	sadd.s32 $0x680, s16;
	s25 =	sadd.s32 s3, s25;
	s30 =	spop (v2sf);
	(v2sf) =	vpush v0, $0x9  }
0x90: {  	[tilespmem:s1], [sflag:$0x1] =	stream.linear.gather [hbm4b:s25+s2], $0x80, $0x38;
	[tilespmem:$0x10400] =	vst v63  }
0x91: {  	s1 =	sand.u32 $0x1FFFFFF0, s30;
	s25 =	sand.u32 $0x1FFFFFF0, s28;
	s28 =	spop (v2sf);
	(v2sf) =	vpush v0, $0xA  }
0x92: {  	s30 =	sadd.s32 $0x600, s16;
	s1 =	sadd.s32 s3, s1;
	s31 =	spop (v2sf)  }
0x93: {  	[tilespmem:s0], [sflag:$0x1] =	stream.linear.gather [hbm4b:s1+s2], $0x80, $0x38;
	(v2sf) =	vpush v0, $0xB;
	[tilespmem:$0x10400] =	vst v63  }
0x94: {  	s0 =	sadd.s32 s3, s25;
	s1 =	sand.u32 $0x1FFFFFF0, s28;
	s25 =	sand.u32 $0x1FFFFFF0, s31  }
0x95: {  	[tilespmem:s26], [sflag:$0x1] =	stream.linear.gather [hbm4b:s0+s2], $0x80, $0x38;
	(v2sf) =	vpush v0, $0xC;
	[tilespmem:$0x10400] =	vst v63  }
0x96: {  	s1 =	sadd.s32 s3, s1;
	s0 =	sadd.s32 $0x580, s16;
	s26 =	spop (v2sf)  }
0x97: {  	[tilespmem:s0], [sflag:$0x1] =	stream.linear.gather [hbm4b:s1+s2], $0x80, $0x38;
	(v2sf) =	vpush v0, $0xD;
	[tilespmem:$0x10400] =	vst v63  }
0x98: {  	s0 =	sadd.s32 s3, s25;
	s1 =	sand.u32 $0x1FFFFFF0, s26;
	s25 =	spop (v2sf)  }
0x99: {  	[tilespmem:s30], [sflag:$0x1] =	stream.linear.gather [hbm4b:s0+s2], $0x80, $0x38;
	(v2sf) =	vpush v0, $0xE;
	[tilespmem:$0x10400] =	vst v63  }
0x9a: {  	s0 =	sadd.s32 s3, s1;
	s1 =	sand.u32 $0x1FFFFFF0, s25;
	s25 =	spop (v2sf)  }
0x9b: {  	[tilespmem:s29], [sflag:$0x1] =	stream.linear.gather [hbm4b:s0+s2], $0x80, $0x38;
	(v2sf) =	vpush v0, $0xF;
	[tilespmem:$0x10400] =	vst v63  }
0x9c: {  	s0 =	sadd.s32 s3, s1;
	s1 =	sand.u32 $0x1FFFFFF0, s25;
	s25 =	spop (v2sf)  }
0x9d: {  	[tilespmem:s24], [sflag:$0x1] =	stream.linear.gather [hbm4b:s0+s2], $0x80, $0x38;
	[tilespmem:$0x10400] =	vst v63  }
0x9e: {  	s0 =	sadd.s32 s3, s1;
	s1 =	sand.u32 $0x1FFFFFF0, s25;
	s24 =	spop (v2sf)  }
0x9f: {  	[tilespmem:s23], [sflag:$0x1] =	stream.linear.gather [hbm4b:s0+s2], $0x80, $0x38;
	[tilespmem:$0x10400] =	vst v63  }
0xa0: {  	s0 =	sadd.s32 s3, s1;
	s1 =	sand.u32 $0x1FFFFFF0, s24;
	s23 =	spop (v2sf)  }
0xa1: {  	[tilespmem:s22], [sflag:$0x1] =	stream.linear.gather [hbm4b:s0+s2], $0x80, $0x38;
	[tilespmem:$0x10400] =	vst v63  }
0xa2: {  	s0 =	sadd.s32 s3, s1;
	s1 =	sand.u32 $0x1FFFFFF0, s23;
	s22 =	spop (v2sf)  }
0xa3: {  	[tilespmem:s21], [sflag:$0x1] =	stream.linear.gather [hbm4b:s0+s2], $0x80, $0x38;
	[tilespmem:$0x10400] =	vst v63  }
0xa4: {  	s0 =	sadd.s32 s3, s1;
	s1 =	sand.u32 $0x1FFFFFF0, s22;
	s21 =	spop (v2sf)  }
0xa5: {  	[tilespmem:s20], [sflag:$0x1] =	stream.linear.gather [hbm4b:s0+s2], $0x80, $0x38;
	[tilespmem:$0x10400] =	vst v63  }
0xa6: {  	s0 =	sadd.s32 s3, s1;
	s1 =	sand.u32 $0x1FFFFFF0, s21;
	s20 =	spop (v2sf)  }
0xa7: {  	[tilespmem:s19], [sflag:$0x1] =	stream.linear.gather [hbm4b:s0+s2], $0x80, $0x38;
	[tilespmem:$0x10400] =	vst v63  }
0xa8: {  	s0 =	sadd.s32 s3, s1;
	s1 =	sand.u32 $0x1FFFFFF0, s20;
	s19 =	spop (v2sf)  }
0xa9: {  	[tilespmem:s18], [sflag:$0x1] =	stream.linear.gather [hbm4b:s0+s2], $0x80, $0x38;
	[tilespmem:$0x10400] =	vst v63  }
0xaa: {  	s0 =	sadd.s32 s3, s1;
	s1 =	sand.u32 $0x1FFFFFF0, s19;
	s18 =	spop (v2sf)  }
0xab: {  	[tilespmem:s17], [sflag:$0x1] =	stream.linear.gather [hbm4b:s0+s2], $0x80, $0x38;
	[tilespmem:$0x10400] =	vst v63  }
0xac: {  	s1 =	sadd.s32 s3, s1;
	s0 =	sadd.s32 $0xB00, s16;
	s17 =	sand.u32 $0x1FFFFFF0, s18  }
0xad: {  	[tilespmem:s0], [sflag:$0x1] =	stream.linear.gather [hbm4b:s1+s2], $0x80, $0x38;
	[tilespmem:$0x10400] =	vst v63  }
0xae: {  	s0 =	sand.u32 $0x1F0, s15;
	s1 =	sadd.s32 $0xB80, s16;
	s16 =	sadd.s32 s3, s17  }
0xaf: {  	[tilespmem:s1], [sflag:$0x1] =	stream.linear.gather [hbm4b:s16+s2], $0x80, $0x38;
	[tilespmem:$0x10400] =	vst v63  }
0xb0: {  	v0 =	vld [tilespmem:s0+$0x200];
	_ =	sdelay $0x4  }
0xb1: {  	v0 =	vshll.u32 v0, $0x4  }
0xb2: {  	(v2sf) =	vpush v0, $0x0  }
0xb3: {  	(v2sf) =	vpush v0, $0x2  }
0xb4: {  	(v2sf) =	vpush v0, $0x1;
	_ =	sdelay $0x1  }
.Ltmp2:
0xb5: {  	(v2sf) =	vpush v0, $0x3;
	(pc) =	sbr.rel @p0 .LBB2_6-.Ltmp2, $2  }
0xb6: {  	(v2sf) =	vpush v0, $0x4;
	_ =	sdelay $0x2  }
0xb7: {  	s15 =	sadd.s32 $0x10, s15  }
0xb8: {  	(v2sf) =	vpush v0, $0x5;
	_ =	sdelay $0x1  }
0xb9: {  	s13 =	sshra.s32 s13, $0x2;
	(v2sf) =	vpush v0, $0x6  }
0xba: {  	s0 =	sadd.s32 $0x480, s13;
	s1 =	sadd.s32 $0x400, s13  }
0xbb: {  	s16 =	sadd.s32 $0x980, s13;
	s15 =	sadd.s32 $0xA00, s13;
	s14 =	sadd.s32 $0xA80, s13;
	(v2sf) =	vpush v0, $0x7  }
0xbc: {  	s17 =	sadd.s32 $0x800, s13;
	s18 =	sadd.s32 $0x880, s13;
	s19 =	sadd.s32 $0x900, s13  }
0xbd: {  	s20 =	sadd.s32 $0x700, s13;
	s21 =	sadd.s32 $0x780, s13;
	s22 =	spop (v2sf);
	(v2sf) =	vpush v0, $0x8  }
0xbe: {  	s23 =	sadd.s32 $0x500, s13;
	s22 =	sand.u32 $0x1FFFFFF0, s22;
	s24 =	spop (v2sf)  }
0xbf: {  	s25 =	sadd.s32 $0x680, s13;
	s22 =	sadd.s32 s3, s22;
	s26 =	spop (v2sf);
	(v2sf) =	vpush v0, $0x9  }
0xc0: {  	[tilespmem:s1], [sflag:$0x1] =	stream.linear.gather [hbm4b:s22+s2], $0x80, $0x38;
	[tilespmem:$0x10400] =	vst v63  }
0xc1: {  	s30 =	sand.u32 $0x1FFFFFF0, s24;
	s29 =	sand.u32 $0x1FFFFFF0, s26;
	s31 =	spop (v2sf);
	(v2sf) =	vpush v0, $0xA  }
0xc2: {  	s24 =	sadd.s32 $0x580, s13;
	s1 =	sadd.s32 s3, s29;
	s28 =	spop (v2sf)  }
0xc3: {  	[tilespmem:s0], [sflag:$0x1] =	stream.linear.gather [hbm4b:s1+s2], $0x80, $0x38;
	(v2sf) =	vpush v0, $0xB;
	[tilespmem:$0x10400] =	vst v63  }
0xc4: {  	s26 =	sadd.s32 $0x600, s13;
	s29 =	sadd.s32 s3, s30;
	s30 =	sand.u32 $0x1FFFFFF0, s31  }
0xc5: {  	(v2sf) =	vpush v0, $0xC;
	[tilespmem:s23], [sflag:$0x1] =	stream.linear.gather [hbm4b:s29+s2], $0x80, $0x38;
	[tilespmem:$0x10400] =	vst v63  }
0xc6: {  	s31 =	sand.u32 $0x1FFFFFF0, s28;
	s1 =	sadd.s32 s3, s30;
	s28 =	spop (v2sf)  }
0xc7: {  	[tilespmem:s24], [sflag:$0x1] =	stream.linear.gather [hbm4b:s1+s2], $0x80, $0x38;
	(v2sf) =	vpush v0, $0xD;
	[tilespmem:$0x10400] =	vst v63  }
0xc8: {  	s29 =	sadd.s32 s3, s31;
	s30 =	sand.u32 $0x1FFFFFF0, s28;
	s31 =	spop (v2sf)  }
0xc9: {  	(v2sf) =	vpush v0, $0xE;
	[tilespmem:s26], [sflag:$0x1] =	stream.linear.gather [hbm4b:s29+s2], $0x80, $0x38;
	[tilespmem:$0x10400] =	vst v63  }
0xca: {  	s1 =	sadd.s32 s3, s30;
	s23 =	sand.u32 $0x1FFFFFF0, s31;
	s24 =	spop (v2sf)  }
0xcb: {  	(v2sf) =	vpush v0, $0xF;
	[tilespmem:s25], [sflag:$0x1] =	stream.linear.gather [hbm4b:s1+s2], $0x80, $0x38;
	[tilespmem:$0x10400] =	vst v63  }
0xcc: {  	s26 =	sand.u32 $0x1FFFFFF0, s24;
	s25 =	sadd.s32 s3, s23;
	s28 =	spop (v2sf)  }
0xcd: {  	[tilespmem:s20], [sflag:$0x1] =	stream.linear.gather [hbm4b:s25+s2], $0x80, $0x38;
	[tilespmem:$0x10400] =	vst v63  }
0xce: {  	s29 =	sadd.s32 s3, s26;
	s30 =	sand.u32 $0x1FFFFFF0, s28;
	s31 =	spop (v2sf)  }
0xcf: {  	[tilespmem:s21], [sflag:$0x1] =	stream.linear.gather [hbm4b:s29+s2], $0x80, $0x38;
	[tilespmem:$0x10400] =	vst v63  }
0xd0: {  	s22 =	sadd.s32 s3, s30;
	s23 =	sand.u32 $0x1FFFFFF0, s31;
	s24 =	spop (v2sf)  }
0xd1: {  	[tilespmem:s17], [sflag:$0x1] =	stream.linear.gather [hbm4b:s22+s2], $0x80, $0x38;
	[tilespmem:$0x10400] =	vst v63  }
0xd2: {  	s25 =	sadd.s32 s3, s23;
	s26 =	sand.u32 $0x1FFFFFF0, s24;
	s28 =	spop (v2sf)  }
0xd3: {  	[tilespmem:s18], [sflag:$0x1] =	stream.linear.gather [hbm4b:s25+s2], $0x80, $0x38;
	[tilespmem:$0x10400] =	vst v63  }
0xd4: {  	s29 =	sadd.s32 s3, s26;
	s30 =	sand.u32 $0x1FFFFFF0, s28;
	s31 =	spop (v2sf)  }
0xd5: {  	[tilespmem:s19], [sflag:$0x1] =	stream.linear.gather [hbm4b:s29+s2], $0x80, $0x38;
	[tilespmem:$0x10400] =	vst v63  }
0xd6: {  	s18 =	sadd.s32 s3, s30;
	s19 =	sand.u32 $0x1FFFFFF0, s31;
	s20 =	spop (v2sf)  }
0xd7: {  	[tilespmem:s16], [sflag:$0x1] =	stream.linear.gather [hbm4b:s18+s2], $0x80, $0x38;
	[tilespmem:$0x10400] =	vst v63  }
0xd8: {  	s21 =	sadd.s32 s3, s19;
	s22 =	sand.u32 $0x1FFFFFF0, s20;
	s23 =	spop (v2sf)  }
0xd9: {  	[tilespmem:s15], [sflag:$0x1] =	stream.linear.gather [hbm4b:s21+s2], $0x80, $0x38;
	[tilespmem:$0x10400] =	vst v63  }
0xda: {  	s24 =	sadd.s32 s3, s22;
	s25 =	sand.u32 $0x1FFFFFF0, s23;
	s26 =	spop (v2sf)  }
0xdb: {  	[tilespmem:s14], [sflag:$0x1] =	stream.linear.gather [hbm4b:s24+s2], $0x80, $0x38;
	[tilespmem:$0x10400] =	vst v63  }
0xdc: {  	s28 =	sadd.s32 $0xB00, s13;
	s1 =	sadd.s32 s3, s25;
	s29 =	sand.u32 $0x1FFFFFF0, s26  }
0xdd: {  	[tilespmem:s28], [sflag:$0x1] =	stream.linear.gather [hbm4b:s1+s2], $0x80, $0x38;
	[tilespmem:$0x10400] =	vst v63  }
0xde: {  	s30 =	sadd.s32 $0xB80, s13;
	s31 =	sadd.s32 s3, s29  }
0xdf: {  	[tilespmem:s30], [sflag:$0x1] =	stream.linear.gather [hbm4b:s31+s2], $0x80, $0x38;
	[tilespmem:$0x10400] =	vst v63  }
0xe0: {  	_ =	swait.ge [sflag:s11], $0x80  }
0xe1: {  	s13 =	simm.s32 $0x1FF;
	[sflag:s11] =	ssyncset.done $0x0  }
.LBB2_8:
0xe2: {  	p0 =	sne.s32 s13, $0x1;
	s13 =	sadd.s32 $0xFFFFFFFF, s13;
	[sflag:s11] =	ssyncadd.s32 $0xFFFFFF80  }
.Ltmp3:
0xe3: {  	(pc) =	sbr.rel @p0 .LBB2_8-.Ltmp3, $3  }
0xe4: {  	_ =	sdelay $0x1  }
0xe5: {  	_ =	swait.ge [sflag:s11], $0x80  }
0xe6: {  	[sflag:s11] =	ssyncset.done $0x0  }
0xe7: {  	s12 =	sadd.s32 $0x1, s12  }
0xe8: {  	p0 =	sne.s32 s12, s7  }
.Ltmp4:
0xe9: {  	[sflag:s11] =	ssyncadd.s32 $0xFFFFFF80;
	(pc) =	sbr.rel @p0 .LBB2_1-.Ltmp4, $4  }
0xea: {  	[hbm4b:s6+s2] =	stream.linear.scatter [tilespmem:s9], [sflag:$0x2], $0x10000, $0x38;
	[tilespmem:$0x10400] =	vst v63  }
0xeb: {  	_ =	swait.ge [sflag:s10], $0x10000  }
0xec: {  	[sflag:s10] =	ssyncset.done $0x0  }
0xed: {  	[sflag:s10] =	ssyncadd.s32 $0xFFFF0000  }
0xee: {  	_ =	sfence.sel $0x180000  }
0xef: {  	[bflag:$0x0] =	sbarrier.arrive $0xFFFF  }
0xf0: {  	_ =	strace $0x90000047  }
0xf1: {  	s0 =	stileid.u32;
	[bflag:$0x2] =	sbarrier.arrive $0xFFFF  }
0xf2: {  	p0 =	sne.s32 s0, $0x0;
	s0 =	rddreg [dreg:$0x1]  }
0xf3: {  	s0 =	sadd.s32 @!p0 $0x100000, s0  }
0xf4: {  	[sflag:s0] =	ssyncadd.tile.s32 @!p0 $0x1;
	_ =	shalt  }
.Lfunc_end2:
_tile_overlayer_lowered:
.L_overlay_start_2:
0xf5: {  	(tag) =	ssettag $0x2  }
0xf6: {  	s0 =	rddreg [dreg:$0x0];
	s2 =	stileid.u32  }
0xf7: {  	s1 =	rddreg [dreg:$0x1];
	p0 =	sne.s32 s2, $0x0  }
0xf8: {  	s3 =	rddreg [dreg:$0x2];
	[bflag:$0x3] =	sbarrier.arrive $0xFFFF;
	s2 =	simm.s32 @!p0 $0x1C02  }
0xf9: {  	[timem:s3], [sflag:s2] =	dma.local @!p0 [hbm:s0], s1  }
0xfa: {  	s0 =	simm.s32 @!p0 $0x2  }
0xfb: {  	_ =	swait.ge @!p0 [sflag:s0], s1  }
0xfc: {  	s1 =	ssub.s32 @!p0 $0x0, s1;
	[sflag:s0] =	ssyncset.done @!p0 $0x0  }
0xfd: {  	[sflag:s0] =	ssyncadd.s32 @!p0 s1  }
0xfe: {  	[bflag:$0x3] =	sbarrier.arrive $0xFFFF  }
0xff: {  	_ =	shalt  }

</sc_bundles>
